<compile_context>
chip_gen: v7x
topology: tpu7x:2x2x1
jax: 0.10.2.dev20260603
libtpu: 0.0.44.dev20260713+nightly
codegen_flags: <defaults>
</compile_context>

<pallas_src>
import functools

import jax
import jax.numpy as jnp
from jax import lax
from jax.experimental import pallas as pl
from jax.experimental.pallas import tpu as pltpu
from jax.experimental.pallas import tpu_sc as plsc

NC = 2
NS = 16
NW = NC * NS
CHUNK = 128
LANES = 16

_mesh = plsc.VectorSubcoreMesh(
    core_axis_name="c", subcore_axis_name="s", num_cores=NC, num_subcores=NS
)
_sc_params = pltpu.CompilerParams(needs_layout_passes=False)


def _make_deg_kernel(n_rows, n_chunks):
    @functools.partial(
        pl.kernel,
        out_type=jax.ShapeDtypeStruct((NW, n_rows, LANES), jnp.float32),
        mesh=_mesh,
        scratch_types=[
            pltpu.VMEM((n_chunks, CHUNK), jnp.int32),
            pltpu.VMEM((n_chunks, CHUNK), jnp.float32),
            pltpu.VMEM((n_rows, LANES), jnp.float32),
        ],
        compiler_params=_sc_params,
    )
    def deg_kernel(dst_hbm, w_hbm, out_hbm, dst_v, w_v, pdeg):
        c = lax.axis_index("c")
        s = lax.axis_index("s")
        wid = s * NC + c
        pltpu.sync_copy(dst_hbm.at[wid], dst_v)
        pltpu.sync_copy(w_hbm.at[wid], w_v)

        zero16 = jnp.zeros((LANES,), jnp.float32)

        @pl.loop(0, n_rows)
        def _zero_pdeg(r):
            pdeg.at[r, pl.ds(0, LANES)][...] = zero16

        @pl.loop(0, n_chunks)
        def _edges(ch):
            for g in range(CHUNK // LANES):
                dst16 = dst_v[ch, pl.ds(g * LANES, LANES)]
                w16 = w_v[ch, pl.ds(g * LANES, LANES)]
                plsc.addupdate_scatter(
                    pdeg, [dst16 >> 4, dst16 & (LANES - 1)], w16)

        pltpu.sync_copy(pdeg, out_hbm.at[wid])

    return deg_kernel


def _make_msg_kernel(n_pad, d, n_chunks):
    rows_per_tile = n_pad // NS

    @functools.partial(
        pl.kernel,
        out_type=jax.ShapeDtypeStruct((NC, n_pad, d), jnp.float32),
        mesh=_mesh,
        scratch_types=[
            pltpu.VMEM((n_chunks, CHUNK), jnp.int32),
            pltpu.VMEM((n_chunks, CHUNK), jnp.int32),
            pltpu.VMEM((n_chunks, CHUNK), jnp.float32),
            pltpu.VMEM((CHUNK, d), jnp.float32),
            pltpu.VMEM_SHARED((n_pad, d), jnp.float32),
            pltpu.SemaphoreType.DMA,
        ],
        compiler_params=_sc_params,
    )
    def msg_kernel(hp_hbm, src_hbm, dst_hbm, w_hbm, out_hbm,
                   src_v, dst_v, w_v, rows0_v, acc_sh, sem0):
        c = lax.axis_index("c")
        s = lax.axis_index("s")
        wid = s * NC + c
        pltpu.sync_copy(src_hbm.at[wid], src_v)
        pltpu.sync_copy(dst_hbm.at[wid], dst_v)
        pltpu.sync_copy(w_hbm.at[wid], w_v)

        zero16 = jnp.zeros((LANES,), jnp.float32)

        @pl.loop(0, CHUNK)
        def _zero_rows(r):
            for q in range(d // LANES):
                rows0_v.at[r, pl.ds(q * LANES, LANES)][...] = zero16

        base = s * rows_per_tile
        off = 0
        while off < rows_per_tile:
            sz = min(CHUNK, rows_per_tile - off)
            pltpu.sync_copy(
                rows0_v.at[pl.ds(0, sz)], acc_sh.at[pl.ds(base + off, sz)]
            )
            off += sz
        plsc.subcore_barrier()

        def scale(rows, ch):
            @pl.loop(0, CHUNK)
            def _scale(j):
                jidx = jnp.full((LANES,), j, dtype=jnp.int32)
                w16 = plsc.load_gather(w_v.at[ch], [jidx])
                for q in range(d // LANES):
                    sl = rows.at[j, pl.ds(q * LANES, LANES)]
                    sl[...] = sl[...] * w16

        @pl.loop(0, n_chunks)
        def _edges(ch):
            pltpu.async_copy(hp_hbm.at[src_v.at[ch]], rows0_v, sem0).wait()
            scale(rows0_v, ch)
            pltpu.sync_copy(rows0_v, acc_sh.at[dst_v.at[ch]], add=True)

        plsc.subcore_barrier()
        pltpu.sync_copy(
            acc_sh.at[pl.ds(base, rows_per_tile)],
            out_hbm.at[c, pl.ds(base, rows_per_tile)],
        )

    return msg_kernel


def _h_block(x_ref, w_ref, o_ref):
    o_ref[...] = jnp.dot(x_ref[...], w_ref[...],
                         preferred_element_type=jnp.float32)


def _dinv(dall):
    deg = 1.0 + jnp.sum(dall, axis=0)
    return jnp.where(deg > 0, lax.rsqrt(jnp.maximum(deg, 1e-12)), 0.0)


def _hp_block(h_ref, dp_ref, o_ref):
    o_ref[...] = h_ref[...] * _dinv(dp_ref[...])


def _out_block(acc_ref, hp_ref, dp_ref, cb_ref, lwt_ref, lb_ref, o_ref):
    dinv = _dinv(dp_ref[...])
    pre = dinv * (acc_ref[0] + acc_ref[1] + hp_ref[...]) + cb_ref[...]
    r = jnp.maximum(pre, 0.0)
    o_ref[...] = jnp.dot(r, lwt_ref[...],
                         preferred_element_type=jnp.float32) + lb_ref[...]


def kernel(x, edge_index, edge_weight, conv_W, conv_b, lin_W, lin_b):
    n_nodes, d_in = x.shape
    d_hid = conv_W.shape[1]
    d_out = lin_W.shape[0]
    n_edges = edge_weight.shape[0]

    n_chunks = -(-n_edges // (NW * CHUNK))
    e_pad = NW * n_chunks * CHUNK
    pad = e_pad - n_edges
    n_pad = -(-n_nodes // (NS * 8)) * (NS * 8)

    src = edge_index[0].astype(jnp.int32)
    dst = edge_index[1].astype(jnp.int32)
    w = edge_weight.astype(jnp.float32)
    srcp = jnp.concatenate([src, jnp.zeros((pad,), jnp.int32)]) \
              .reshape(NW, n_chunks, CHUNK)
    dstp = jnp.concatenate([dst, jnp.zeros((pad,), jnp.int32)]) \
              .reshape(NW, n_chunks, CHUNK)
    wp = jnp.concatenate([w, jnp.zeros((pad,), jnp.float32)]) \
            .reshape(NW, n_chunks, CHUNK)

    n_rows = -(-n_nodes // (LANES * CHUNK)) * CHUNK
    degp = _make_deg_kernel(n_rows, n_chunks)(dstp, wp)
    deg2 = degp.reshape(NW, n_rows * LANES)[:, :n_nodes] \
               .reshape(NW, n_nodes, 1)

    blk = 400
    grid = (n_nodes // blk,)
    h = pl.pallas_call(
        _h_block,
        grid=grid,
        in_specs=[
            pl.BlockSpec((blk, d_in), lambda i: (i, 0)),
            pl.BlockSpec((d_in, d_hid), lambda i: (0, 0)),
        ],
        out_specs=pl.BlockSpec((blk, d_hid), lambda i: (i, 0)),
        out_shape=jax.ShapeDtypeStruct((n_nodes, d_hid), jnp.float32),
    )(x, conv_W)

    hp = pl.pallas_call(
        _hp_block,
        grid=grid,
        in_specs=[
            pl.BlockSpec((blk, d_hid), lambda i: (i, 0)),
            pl.BlockSpec((NW, blk, 1), lambda i: (0, i, 0)),
        ],
        out_specs=pl.BlockSpec((blk, d_hid), lambda i: (i, 0)),
        out_shape=jax.ShapeDtypeStruct((n_nodes, d_hid), jnp.float32),
    )(h, deg2)

    acc = _make_msg_kernel(n_pad, d_hid, n_chunks)(hp, srcp, dstp, wp)

    out = pl.pallas_call(
        _out_block,
        grid=grid,
        in_specs=[
            pl.BlockSpec((NC, blk, d_hid), lambda i: (0, i, 0)),
            pl.BlockSpec((blk, d_hid), lambda i: (i, 0)),
            pl.BlockSpec((NW, blk, 1), lambda i: (0, i, 0)),
            pl.BlockSpec((1, d_hid), lambda i: (0, 0)),
            pl.BlockSpec((d_hid, d_out), lambda i: (0, 0)),
            pl.BlockSpec((1, d_out), lambda i: (0, 0)),
        ],
        out_specs=pl.BlockSpec((blk, d_out), lambda i: (i, 0)),
        out_shape=jax.ShapeDtypeStruct((n_nodes, d_out), jnp.float32),
    )(acc, hp, deg2, conv_b.reshape(1, d_hid), lin_W.T,
      lin_b.reshape(1, d_out))

    return out

# --- scband reference (transcript-rebuilt; emitter-appended) ---
"""Pipeline reference for scband-sig-gcnclassification-77051713290723 (READ-ONLY COPY).

The authoritative reference and input builder live on the scoring server;
editing this copy changes nothing except your own understanding.
"""

import jax, jax.numpy as jnp
import numpy as np

N_NODES = 10000
N_EDGES = 320000
D_IN = 128
D_HID = 128
D_OUT = 40

def setup_inputs(seed: int = 0) -> dict:
    key = jax.random.key(seed)
    k1, k2, k3, k4, k5, k6, k7, k8 = jax.random.split(key, 8)
    x = jax.random.normal(k1, (N_NODES, D_IN), dtype=jnp.float32)
    edge_index = jax.random.randint(k2, (2, N_EDGES), 0, N_NODES, dtype=jnp.int64)
    edge_weight = jax.random.uniform(k3, (N_EDGES,), dtype=jnp.float32)
    # GCNConv weight (in, hidden) and bias
    conv_W = jax.random.normal(k4, (D_IN, D_HID), dtype=jnp.float32) * (1.0 / np.sqrt(D_IN))
    conv_b = jnp.zeros((D_HID,), dtype=jnp.float32)
    # Linear: weight (out, in) as in nn.Linear
    lin_W = jax.random.normal(k5, (D_OUT, D_HID), dtype=jnp.float32) * (1.0 / np.sqrt(D_HID))
    lin_b = jax.random.normal(k6, (D_OUT,), dtype=jnp.float32) * 0.01
    return {"x": x, "edge_index": edge_index, "edge_weight": edge_weight,
            "conv_W": conv_W, "conv_b": conv_b, "lin_W": lin_W, "lin_b": lin_b}

def reference(x, edge_index, edge_weight, conv_W, conv_b, lin_W, lin_b):
    N = x.shape[0]
    src = edge_index[0]
    dst = edge_index[1]
    # add self-loops (GCN normalization with A_hat = A + I)
    loop = jnp.arange(N, dtype=edge_index.dtype)
    src_full = jnp.concatenate([src, loop])
    dst_full = jnp.concatenate([dst, loop])
    w_full = jnp.concatenate([edge_weight, jnp.ones((N,), dtype=x.dtype)])
    # degree by destination node
    deg = jnp.zeros((N,), dtype=x.dtype).at[dst_full].add(w_full)
    deg_inv_sqrt = jnp.where(deg > 0, jax.lax.rsqrt(jnp.maximum(deg, 1e-12)), 0.0)
    norm = deg_inv_sqrt[src_full] * w_full * deg_inv_sqrt[dst_full]
    # linear transform then message passing (gather src, scatter-add to dst)
    h = x @ conv_W
    msg = h[src_full] * norm[:, None]
    out = jnp.zeros((N, h.shape[1]), dtype=x.dtype).at[dst_full].add(msg)
    out = out + conv_b
    out = jax.nn.relu(out)
    out = out @ lin_W.T + lin_b
    return out

if __name__ == "__main__":
    import jax
    _d = setup_inputs()
    print(jax.jit(kernel)(*tuple(_d.values())))

</pallas_src>

<mosaic_0001>
#map = affine_map<(d0, d1) -> (0, 0, 0)>
module attributes {stable_mosaic.version = 14 : i64} {
  func.func @deg_kernel(%arg0: i32, %arg1: i32, %arg2: memref<32x79x128xi32, #tpu.memory_space<hbm>>, %arg3: memref<32x79x128xf32, #tpu.memory_space<hbm>>, %arg4: memref<32x640x16xf32, #tpu.memory_space<hbm>>, %arg5: memref<79x128xi32, #tpu.memory_space<vmem>>, %arg6: memref<79x128xf32, #tpu.memory_space<vmem>>, %arg7: memref<640x16xf32, #tpu.memory_space<vmem>>) attributes {dimension_semantics = [#tpu.dimension_semantics<core_parallel>, #tpu.dimension_semantics<subcore_parallel>], iteration_bounds = array<i64: 2, 16>, scalar_prefetch = 0 : i64, scratch_operands = 3 : i64, tpu.core_type = #tpu.core_type<sc_vector_subcore>, window_params = [{transform_indices = #map}, {transform_indices = #map}, {transform_indices = #map}]} {
    %mul3A = arith.constant 2 : i32
    %mul3A_0 = arith.muli %arg1, %mul3A : i32
    %add3A = arith.addi %mul3A_0, %arg0 : i32
    "tpu.region"() ({
      %run_scoped3A = tpu.sem_alloc : memref<!tpu.dma_semaphore, #tpu.memory_space<semaphore_mem>>
      %dma_start3A = arith.constant 0 : i32
      %dma_start3A_11 = arith.constant 0 : i32
      %dma_start3A_12 = tpu.memref_slice %arg2[%add3A, %dma_start3A, %dma_start3A_11] : memref<32x79x128xi32, #tpu.memory_space<hbm>> -> memref<1x79x128xi32, #tpu.memory_space<hbm>>
      %dma_start3A_13 = tpu.memref_squeeze %dma_start3A_12 : memref<1x79x128xi32, #tpu.memory_space<hbm>> -> memref<79x128xi32, #tpu.memory_space<hbm>>
      %dma_start3A_14 = arith.constant 0 : i32
      %dma_start3A_15 = arith.constant 0 : i32
      %dma_start3A_16 = tpu.memref_slice %arg2[%add3A, %dma_start3A_14, %dma_start3A_15] : memref<32x79x128xi32, #tpu.memory_space<hbm>> -> memref<1x79x128xi32, #tpu.memory_space<hbm>>
      %dma_start3A_17 = tpu.memref_squeeze %dma_start3A_16 : memref<1x79x128xi32, #tpu.memory_space<hbm>> -> memref<79x128xi32, #tpu.memory_space<hbm>>
      tpu.enqueue_dma source(%dma_start3A_17 : memref<79x128xi32, #tpu.memory_space<hbm>>) target(%arg5 : memref<79x128xi32, #tpu.memory_space<vmem>>) target_semaphore(%run_scoped3A : memref<!tpu.dma_semaphore, #tpu.memory_space<semaphore_mem>>)
      %dma_wait3A = arith.constant 0 : i32
      %dma_wait3A_18 = arith.constant 0 : i32
      %dma_wait3A_19 = tpu.memref_slice %arg2[%add3A, %dma_wait3A, %dma_wait3A_18] : memref<32x79x128xi32, #tpu.memory_space<hbm>> -> memref<1x79x128xi32, #tpu.memory_space<hbm>>
      %dma_wait3A_20 = tpu.memref_squeeze %dma_wait3A_19 : memref<1x79x128xi32, #tpu.memory_space<hbm>> -> memref<79x128xi32, #tpu.memory_space<hbm>>
      %dma_wait3A_21 = arith.constant 0 : i32
      %dma_wait3A_22 = arith.constant 0 : i32
      %dma_wait3A_23 = tpu.memref_slice %arg2[%add3A, %dma_wait3A_21, %dma_wait3A_22] : memref<32x79x128xi32, #tpu.memory_space<hbm>> -> memref<1x79x128xi32, #tpu.memory_space<hbm>>
      %dma_wait3A_24 = tpu.memref_squeeze %dma_wait3A_23 : memref<1x79x128xi32, #tpu.memory_space<hbm>> -> memref<79x128xi32, #tpu.memory_space<hbm>>
      tpu.wait_dma2 semaphore(%run_scoped3A : memref<!tpu.dma_semaphore, #tpu.memory_space<semaphore_mem>>) src(%dma_wait3A_24 : memref<79x128xi32, #tpu.memory_space<hbm>>) dst(%arg5 : memref<79x128xi32, #tpu.memory_space<vmem>>)
      tpu.yield
    }) : () -> ()
    "tpu.region"() ({
      %run_scoped3A = tpu.sem_alloc : memref<!tpu.dma_semaphore, #tpu.memory_space<semaphore_mem>>
      %dma_start3A = arith.constant 0 : i32
      %dma_start3A_11 = arith.constant 0 : i32
      %dma_start3A_12 = tpu.memref_slice %arg3[%add3A, %dma_start3A, %dma_start3A_11] : memref<32x79x128xf32, #tpu.memory_space<hbm>> -> memref<1x79x128xf32, #tpu.memory_space<hbm>>
      %dma_start3A_13 = tpu.memref_squeeze %dma_start3A_12 : memref<1x79x128xf32, #tpu.memory_space<hbm>> -> memref<79x128xf32, #tpu.memory_space<hbm>>
      %dma_start3A_14 = arith.constant 0 : i32
      %dma_start3A_15 = arith.constant 0 : i32
      %dma_start3A_16 = tpu.memref_slice %arg3[%add3A, %dma_start3A_14, %dma_start3A_15] : memref<32x79x128xf32, #tpu.memory_space<hbm>> -> memref<1x79x128xf32, #tpu.memory_space<hbm>>
      %dma_start3A_17 = tpu.memref_squeeze %dma_start3A_16 : memref<1x79x128xf32, #tpu.memory_space<hbm>> -> memref<79x128xf32, #tpu.memory_space<hbm>>
      tpu.enqueue_dma source(%dma_start3A_17 : memref<79x128xf32, #tpu.memory_space<hbm>>) target(%arg6 : memref<79x128xf32, #tpu.memory_space<vmem>>) target_semaphore(%run_scoped3A : memref<!tpu.dma_semaphore, #tpu.memory_space<semaphore_mem>>)
      %dma_wait3A = arith.constant 0 : i32
      %dma_wait3A_18 = arith.constant 0 : i32
      %dma_wait3A_19 = tpu.memref_slice %arg3[%add3A, %dma_wait3A, %dma_wait3A_18] : memref<32x79x128xf32, #tpu.memory_space<hbm>> -> memref<1x79x128xf32, #tpu.memory_space<hbm>>
      %dma_wait3A_20 = tpu.memref_squeeze %dma_wait3A_19 : memref<1x79x128xf32, #tpu.memory_space<hbm>> -> memref<79x128xf32, #tpu.memory_space<hbm>>
      %dma_wait3A_21 = arith.constant 0 : i32
      %dma_wait3A_22 = arith.constant 0 : i32
      %dma_wait3A_23 = tpu.memref_slice %arg3[%add3A, %dma_wait3A_21, %dma_wait3A_22] : memref<32x79x128xf32, #tpu.memory_space<hbm>> -> memref<1x79x128xf32, #tpu.memory_space<hbm>>
      %dma_wait3A_24 = tpu.memref_squeeze %dma_wait3A_23 : memref<1x79x128xf32, #tpu.memory_space<hbm>> -> memref<79x128xf32, #tpu.memory_space<hbm>>
      tpu.wait_dma2 semaphore(%run_scoped3A : memref<!tpu.dma_semaphore, #tpu.memory_space<semaphore_mem>>) src(%dma_wait3A_24 : memref<79x128xf32, #tpu.memory_space<hbm>>) dst(%arg6 : memref<79x128xf32, #tpu.memory_space<vmem>>)
      tpu.yield
    }) : () -> ()
    %broadcast_in_dim3A = arith.constant 0.000000e+00 : f32
    %broadcast_in_dim3A_1 = vector.broadcast %broadcast_in_dim3A : f32 to vector<16xf32>
    %scan3A = arith.constant 0 : i32
    %scan3A_2 = arith.constant 640 : i32
    %scan3A_3 = arith.addi %scan3A, %scan3A_2 : i32
    %scan3A_4 = arith.constant 1 : i32
    scf.for %scan3A_11 = %scan3A to %scan3A_3 step %scan3A_4  : i32 {
      %mul3A_12 = arith.constant 1 : i32
      %mul3A_13 = arith.muli %scan3A_11, %mul3A_12 : i32
      %add3A_14 = arith.constant 0 : i32
      %add3A_15 = arith.addi %add3A_14, %mul3A_13 : i32
      %swap3A = arith.index_cast %add3A_15 : i32 to index
      %swap3A_16 = arith.constant 0 : index
      %swap3A_17 = tpu.vector_load %arg7[%swap3A, %swap3A_16] {strides = array<i32>} : memref<640x16xf32, #tpu.memory_space<vmem>>, vector<16xf32>,
      tpu.vector_store %arg7[%swap3A, %swap3A_16], %broadcast_in_dim3A_1 {strides = array<i32>} : memref<640x16xf32, #tpu.memory_space<vmem>>, vector<16xf32>,
    }
    %scan3A_5 = arith.constant 640 : i32
    %scan3A_6 = arith.constant 0 : i32
    %scan3A_7 = arith.constant 79 : i32
    %scan3A_8 = arith.addi %scan3A_6, %scan3A_7 : i32
    %scan3A_9 = arith.constant 1 : i32
    scf.for %scan3A_11 = %scan3A_6 to %scan3A_8 step %scan3A_9  : i32 {
      %mul3A_12 = arith.constant 1 : i32
      %mul3A_13 = arith.muli %scan3A_11, %mul3A_12 : i32
      %add3A_14 = arith.constant 0 : i32
      %add3A_15 = arith.addi %add3A_14, %mul3A_13 : i32
      %get3A = arith.index_cast %add3A_15 : i32 to index
      %get3A_16 = arith.constant 0 : index
      %get3A_17 = tpu.vector_load %arg5[%get3A, %get3A_16] {strides = array<i32>} : memref<79x128xi32, #tpu.memory_space<vmem>>, vector<16xi32>,
      %get3A_18 = arith.index_cast %add3A_15 : i32 to index
      %get3A_19 = arith.constant 0 : index
      %get3A_20 = tpu.vector_load %arg6[%get3A_18, %get3A_19] {strides = array<i32>} : memref<79x128xf32, #tpu.memory_space<vmem>>, vector<16xf32>,
      %shift_right_arithmetic3A = arith.constant 4 : i32
      %shift_right_arithmetic3A_21 = vector.broadcast %shift_right_arithmetic3A : i32 to vector<16xi32>
      %shift_right_arithmetic3A_22 = arith.shrsi %get3A_17, %shift_right_arithmetic3A_21 : vector<16xi32>
      %and3A = arith.constant 15 : i32
      %and3A_23 = vector.broadcast %and3A : i32 to vector<16xi32>
      %and3A_24 = arith.andi %get3A_17, %and3A_23 : vector<16xi32>
      tpu.vector_store_idx %arg7[%shift_right_arithmetic3A_22, %and3A_24], %get3A_20 {add = true} : memref<640x16xf32, #tpu.memory_space<vmem>>[vector<16xi32>, vector<16xi32>], vector<16xf32>,
      %get3A_25 = arith.index_cast %add3A_15 : i32 to index
      %get3A_26 = arith.constant 16 : index
      %get3A_27 = tpu.vector_load %arg5[%get3A_25, %get3A_26] {strides = array<i32>} : memref<79x128xi32, #tpu.memory_space<vmem>>, vector<16xi32>,
      %get3A_28 = arith.index_cast %add3A_15 : i32 to index
      %get3A_29 = arith.constant 16 : index
      %get3A_30 = tpu.vector_load %arg6[%get3A_28, %get3A_29] {strides = array<i32>} : memref<79x128xf32, #tpu.memory_space<vmem>>, vector<16xf32>,
      %shift_right_arithmetic3A_31 = arith.constant 4 : i32
      %shift_right_arithmetic3A_32 = vector.broadcast %shift_right_arithmetic3A_31 : i32 to vector<16xi32>
      %shift_right_arithmetic3A_33 = arith.shrsi %get3A_27, %shift_right_arithmetic3A_32 : vector<16xi32>
      %and3A_34 = arith.constant 15 : i32
      %and3A_35 = vector.broadcast %and3A_34 : i32 to vector<16xi32>
      %and3A_36 = arith.andi %get3A_27, %and3A_35 : vector<16xi32>
      tpu.vector_store_idx %arg7[%shift_right_arithmetic3A_33, %and3A_36], %get3A_30 {add = true} : memref<640x16xf32, #tpu.memory_space<vmem>>[vector<16xi32>, vector<16xi32>], vector<16xf32>,
      %get3A_37 = arith.index_cast %add3A_15 : i32 to index
      %get3A_38 = arith.constant 32 : index
      %get3A_39 = tpu.vector_load %arg5[%get3A_37, %get3A_38] {strides = array<i32>} : memref<79x128xi32, #tpu.memory_space<vmem>>, vector<16xi32>,
      %get3A_40 = arith.index_cast %add3A_15 : i32 to index
      %get3A_41 = arith.constant 32 : index
      %get3A_42 = tpu.vector_load %arg6[%get3A_40, %get3A_41] {strides = array<i32>} : memref<79x128xf32, #tpu.memory_space<vmem>>, vector<16xf32>,
      %shift_right_arithmetic3A_43 = arith.constant 4 : i32
      %shift_right_arithmetic3A_44 = vector.broadcast %shift_right_arithmetic3A_43 : i32 to vector<16xi32>
      %shift_right_arithmetic3A_45 = arith.shrsi %get3A_39, %shift_right_arithmetic3A_44 : vector<16xi32>
      %and3A_46 = arith.constant 15 : i32
      %and3A_47 = vector.broadcast %and3A_46 : i32 to vector<16xi32>
      %and3A_48 = arith.andi %get3A_39, %and3A_47 : vector<16xi32>
      tpu.vector_store_idx %arg7[%shift_right_arithmetic3A_45, %and3A_48], %get3A_42 {add = true} : memref<640x16xf32, #tpu.memory_space<vmem>>[vector<16xi32>, vector<16xi32>], vector<16xf32>,
      %get3A_49 = arith.index_cast %add3A_15 : i32 to index
      %get3A_50 = arith.constant 48 : index
      %get3A_51 = tpu.vector_load %arg5[%get3A_49, %get3A_50] {strides = array<i32>} : memref<79x128xi32, #tpu.memory_space<vmem>>, vector<16xi32>,
      %get3A_52 = arith.index_cast %add3A_15 : i32 to index
      %get3A_53 = arith.constant 48 : index
      %get3A_54 = tpu.vector_load %arg6[%get3A_52, %get3A_53] {strides = array<i32>} : memref<79x128xf32, #tpu.memory_space<vmem>>, vector<16xf32>,
      %shift_right_arithmetic3A_55 = arith.constant 4 : i32
      %shift_right_arithmetic3A_56 = vector.broadcast %shift_right_arithmetic3A_55 : i32 to vector<16xi32>
      %shift_right_arithmetic3A_57 = arith.shrsi %get3A_51, %shift_right_arithmetic3A_56 : vector<16xi32>
      %and3A_58 = arith.constant 15 : i32
      %and3A_59 = vector.broadcast %and3A_58 : i32 to vector<16xi32>
      %and3A_60 = arith.andi %get3A_51, %and3A_59 : vector<16xi32>
      tpu.vector_store_idx %arg7[%shift_right_arithmetic3A_57, %and3A_60], %get3A_54 {add = true} : memref<640x16xf32, #tpu.memory_space<vmem>>[vector<16xi32>, vector<16xi32>], vector<16xf32>,
      %get3A_61 = arith.index_cast %add3A_15 : i32 to index
      %get3A_62 = arith.constant 64 : index
      %get3A_63 = tpu.vector_load %arg5[%get3A_61, %get3A_62] {strides = array<i32>} : memref<79x128xi32, #tpu.memory_space<vmem>>, vector<16xi32>,
      %get3A_64 = arith.index_cast %add3A_15 : i32 to index
      %get3A_65 = arith.constant 64 : index
      %get3A_66 = tpu.vector_load %arg6[%get3A_64, %get3A_65] {strides = array<i32>} : memref<79x128xf32, #tpu.memory_space<vmem>>, vector<16xf32>,
      %shift_right_arithmetic3A_67 = arith.constant 4 : i32
      %shift_right_arithmetic3A_68 = vector.broadcast %shift_right_arithmetic3A_67 : i32 to vector<16xi32>
      %shift_right_arithmetic3A_69 = arith.shrsi %get3A_63, %shift_right_arithmetic3A_68 : vector<16xi32>
      %and3A_70 = arith.constant 15 : i32
      %and3A_71 = vector.broadcast %and3A_70 : i32 to vector<16xi32>
      %and3A_72 = arith.andi %get3A_63, %and3A_71 : vector<16xi32>
      tpu.vector_store_idx %arg7[%shift_right_arithmetic3A_69, %and3A_72], %get3A_66 {add = true} : memref<640x16xf32, #tpu.memory_space<vmem>>[vector<16xi32>, vector<16xi32>], vector<16xf32>,
      %get3A_73 = arith.index_cast %add3A_15 : i32 to index
      %get3A_74 = arith.constant 80 : index
      %get3A_75 = tpu.vector_load %arg5[%get3A_73, %get3A_74] {strides = array<i32>} : memref<79x128xi32, #tpu.memory_space<vmem>>, vector<16xi32>,
      %get3A_76 = arith.index_cast %add3A_15 : i32 to index
      %get3A_77 = arith.constant 80 : index
      %get3A_78 = tpu.vector_load %arg6[%get3A_76, %get3A_77] {strides = array<i32>} : memref<79x128xf32, #tpu.memory_space<vmem>>, vector<16xf32>,
      %shift_right_arithmetic3A_79 = arith.constant 4 : i32
      %shift_right_arithmetic3A_80 = vector.broadcast %shift_right_arithmetic3A_79 : i32 to vector<16xi32>
      %shift_right_arithmetic3A_81 = arith.shrsi %get3A_75, %shift_right_arithmetic3A_80 : vector<16xi32>
      %and3A_82 = arith.constant 15 : i32
      %and3A_83 = vector.broadcast %and3A_82 : i32 to vector<16xi32>
      %and3A_84 = arith.andi %get3A_75, %and3A_83 : vector<16xi32>
      tpu.vector_store_idx %arg7[%shift_right_arithmetic3A_81, %and3A_84], %get3A_78 {add = true} : memref<640x16xf32, #tpu.memory_space<vmem>>[vector<16xi32>, vector<16xi32>], vector<16xf32>,
      %get3A_85 = arith.index_cast %add3A_15 : i32 to index
      %get3A_86 = arith.constant 96 : index
      %get3A_87 = tpu.vector_load %arg5[%get3A_85, %get3A_86] {strides = array<i32>} : memref<79x128xi32, #tpu.memory_space<vmem>>, vector<16xi32>,
      %get3A_88 = arith.index_cast %add3A_15 : i32 to index
      %get3A_89 = arith.constant 96 : index
      %get3A_90 = tpu.vector_load %arg6[%get3A_88, %get3A_89] {strides = array<i32>} : memref<79x128xf32, #tpu.memory_space<vmem>>, vector<16xf32>,
      %shift_right_arithmetic3A_91 = arith.constant 4 : i32
      %shift_right_arithmetic3A_92 = vector.broadcast %shift_right_arithmetic3A_91 : i32 to vector<16xi32>
      %shift_right_arithmetic3A_93 = arith.shrsi %get3A_87, %shift_right_arithmetic3A_92 : vector<16xi32>
      %and3A_94 = arith.constant 15 : i32
      %and3A_95 = vector.broadcast %and3A_94 : i32 to vector<16xi32>
      %and3A_96 = arith.andi %get3A_87, %and3A_95 : vector<16xi32>
      tpu.vector_store_idx %arg7[%shift_right_arithmetic3A_93, %and3A_96], %get3A_90 {add = true} : memref<640x16xf32, #tpu.memory_space<vmem>>[vector<16xi32>, vector<16xi32>], vector<16xf32>,
      %get3A_97 = arith.index_cast %add3A_15 : i32 to index
      %get3A_98 = arith.constant 112 : index
      %get3A_99 = tpu.vector_load %arg5[%get3A_97, %get3A_98] {strides = array<i32>} : memref<79x128xi32, #tpu.memory_space<vmem>>, vector<16xi32>,
      %get3A_100 = arith.index_cast %add3A_15 : i32 to index
      %get3A_101 = arith.constant 112 : index
      %get3A_102 = tpu.vector_load %arg6[%get3A_100, %get3A_101] {strides = array<i32>} : memref<79x128xf32, #tpu.memory_space<vmem>>, vector<16xf32>,
      %shift_right_arithmetic3A_103 = arith.constant 4 : i32
      %shift_right_arithmetic3A_104 = vector.broadcast %shift_right_arithmetic3A_103 : i32 to vector<16xi32>
      %shift_right_arithmetic3A_105 = arith.shrsi %get3A_99, %shift_right_arithmetic3A_104 : vector<16xi32>
      %and3A_106 = arith.constant 15 : i32
      %and3A_107 = vector.broadcast %and3A_106 : i32 to vector<16xi32>
      %and3A_108 = arith.andi %get3A_99, %and3A_107 : vector<16xi32>
      tpu.vector_store_idx %arg7[%shift_right_arithmetic3A_105, %and3A_108], %get3A_102 {add = true} : memref<640x16xf32, #tpu.memory_space<vmem>>[vector<16xi32>, vector<16xi32>], vector<16xf32>,
    }
    %scan3A_10 = arith.constant 79 : i32
    "tpu.region"() ({
      %run_scoped3A = tpu.sem_alloc : memref<!tpu.dma_semaphore, #tpu.memory_space<semaphore_mem>>
      %dma_start3A = arith.constant 0 : i32
      %dma_start3A_11 = arith.constant 0 : i32
      %dma_start3A_12 = tpu.memref_slice %arg4[%add3A, %dma_start3A, %dma_start3A_11] : memref<32x640x16xf32, #tpu.memory_space<hbm>> -> memref<1x640x16xf32, #tpu.memory_space<hbm>>
      %dma_start3A_13 = tpu.memref_squeeze %dma_start3A_12 : memref<1x640x16xf32, #tpu.memory_space<hbm>> -> memref<640x16xf32, #tpu.memory_space<hbm>>
      %dma_start3A_14 = arith.constant 0 : i32
      %dma_start3A_15 = arith.constant 0 : i32
      %dma_start3A_16 = tpu.memref_slice %arg4[%add3A, %dma_start3A_14, %dma_start3A_15] : memref<32x640x16xf32, #tpu.memory_space<hbm>> -> memref<1x640x16xf32, #tpu.memory_space<hbm>>
      %dma_start3A_17 = tpu.memref_squeeze %dma_start3A_16 : memref<1x640x16xf32, #tpu.memory_space<hbm>> -> memref<640x16xf32, #tpu.memory_space<hbm>>
      tpu.enqueue_dma source(%arg7 : memref<640x16xf32, #tpu.memory_space<vmem>>) target(%dma_start3A_17 : memref<640x16xf32, #tpu.memory_space<hbm>>) target_semaphore(%run_scoped3A : memref<!tpu.dma_semaphore, #tpu.memory_space<semaphore_mem>>)
      %dma_wait3A = arith.constant 0 : i32
      %dma_wait3A_18 = arith.constant 0 : i32
      %dma_wait3A_19 = tpu.memref_slice %arg4[%add3A, %dma_wait3A, %dma_wait3A_18] : memref<32x640x16xf32, #tpu.memory_space<hbm>> -> memref<1x640x16xf32, #tpu.memory_space<hbm>>
      %dma_wait3A_20 = tpu.memref_squeeze %dma_wait3A_19 : memref<1x640x16xf32, #tpu.memory_space<hbm>> -> memref<640x16xf32, #tpu.memory_space<hbm>>
      %dma_wait3A_21 = arith.constant 0 : i32
      %dma_wait3A_22 = arith.constant 0 : i32
      %dma_wait3A_23 = tpu.memref_slice %arg4[%add3A, %dma_wait3A_21, %dma_wait3A_22] : memref<32x640x16xf32, #tpu.memory_space<hbm>> -> memref<1x640x16xf32, #tpu.memory_space<hbm>>
      %dma_wait3A_24 = tpu.memref_squeeze %dma_wait3A_23 : memref<1x640x16xf32, #tpu.memory_space<hbm>> -> memref<640x16xf32, #tpu.memory_space<hbm>>
      tpu.wait_dma2 semaphore(%run_scoped3A : memref<!tpu.dma_semaphore, #tpu.memory_space<semaphore_mem>>) src(%arg7 : memref<640x16xf32, #tpu.memory_space<vmem>>) dst(%dma_wait3A_24 : memref<640x16xf32, #tpu.memory_space<hbm>>)
      tpu.yield
    }) : () -> ()
    return
  }
}

#map = affine_map<(d0, d1) -> (0, 0)>
#map1 = affine_map<(d0, d1) -> (0, 0, 0)>
module attributes {stable_mosaic.version = 14 : i64} {
  func.func @msg_kernel(%arg0: i32, %arg1: i32, %arg2: memref<10000x128xf32, #tpu.memory_space<hbm>>, %arg3: memref<32x79x128xi32, #tpu.memory_space<hbm>>, %arg4: memref<32x79x128xi32, #tpu.memory_space<hbm>>, %arg5: memref<32x79x128xf32, #tpu.memory_space<hbm>>, %arg6: memref<2x10112x128xf32, #tpu.memory_space<hbm>>, %arg7: memref<79x128xi32, #tpu.memory_space<vmem>>, %arg8: memref<79x128xi32, #tpu.memory_space<vmem>>, %arg9: memref<79x128xf32, #tpu.memory_space<vmem>>, %arg10: memref<128x128xf32, #tpu.memory_space<vmem>>, %arg11: memref<10112x128xf32, #tpu.memory_space<vmem_shared>>, %arg12: memref<!tpu.dma_semaphore, #tpu.memory_space<semaphore_mem>>) attributes {dimension_semantics = [#tpu.dimension_semantics<core_parallel>, #tpu.dimension_semantics<subcore_parallel>], iteration_bounds = array<i64: 2, 16>, scalar_prefetch = 0 : i64, scratch_operands = 6 : i64, tpu.core_type = #tpu.core_type<sc_vector_subcore>, window_params = [{transform_indices = #map}, {transform_indices = #map1}, {transform_indices = #map1}, {transform_indices = #map1}, {transform_indices = #map1}]} {
    %mul3A = arith.constant 2 : i32
    %mul3A_0 = arith.muli %arg1, %mul3A : i32
    %add3A = arith.addi %mul3A_0, %arg0 : i32
    "tpu.region"() ({
      %run_scoped3A = tpu.sem_alloc : memref<!tpu.dma_semaphore, #tpu.memory_space<semaphore_mem>>
      %dma_start3A = arith.constant 0 : i32
      %dma_start3A_24 = arith.constant 0 : i32
      %dma_start3A_25 = tpu.memref_slice %arg3[%add3A, %dma_start3A, %dma_start3A_24] : memref<32x79x128xi32, #tpu.memory_space<hbm>> -> memref<1x79x128xi32, #tpu.memory_space<hbm>>
      %dma_start3A_26 = tpu.memref_squeeze %dma_start3A_25 : memref<1x79x128xi32, #tpu.memory_space<hbm>> -> memref<79x128xi32, #tpu.memory_space<hbm>>
      %dma_start3A_27 = arith.constant 0 : i32
      %dma_start3A_28 = arith.constant 0 : i32
      %dma_start3A_29 = tpu.memref_slice %arg3[%add3A, %dma_start3A_27, %dma_start3A_28] : memref<32x79x128xi32, #tpu.memory_space<hbm>> -> memref<1x79x128xi32, #tpu.memory_space<hbm>>
      %dma_start3A_30 = tpu.memref_squeeze %dma_start3A_29 : memref<1x79x128xi32, #tpu.memory_space<hbm>> -> memref<79x128xi32, #tpu.memory_space<hbm>>
      tpu.enqueue_dma source(%dma_start3A_30 : memref<79x128xi32, #tpu.memory_space<hbm>>) target(%arg7 : memref<79x128xi32, #tpu.memory_space<vmem>>) target_semaphore(%run_scoped3A : memref<!tpu.dma_semaphore, #tpu.memory_space<semaphore_mem>>)
      %dma_wait3A = arith.constant 0 : i32
      %dma_wait3A_31 = arith.constant 0 : i32
      %dma_wait3A_32 = tpu.memref_slice %arg3[%add3A, %dma_wait3A, %dma_wait3A_31] : memref<32x79x128xi32, #tpu.memory_space<hbm>> -> memref<1x79x128xi32, #tpu.memory_space<hbm>>
      %dma_wait3A_33 = tpu.memref_squeeze %dma_wait3A_32 : memref<1x79x128xi32, #tpu.memory_space<hbm>> -> memref<79x128xi32, #tpu.memory_space<hbm>>
      %dma_wait3A_34 = arith.constant 0 : i32
      %dma_wait3A_35 = arith.constant 0 : i32
      %dma_wait3A_36 = tpu.memref_slice %arg3[%add3A, %dma_wait3A_34, %dma_wait3A_35] : memref<32x79x128xi32, #tpu.memory_space<hbm>> -> memref<1x79x128xi32, #tpu.memory_space<hbm>>
      %dma_wait3A_37 = tpu.memref_squeeze %dma_wait3A_36 : memref<1x79x128xi32, #tpu.memory_space<hbm>> -> memref<79x128xi32, #tpu.memory_space<hbm>>
      tpu.wait_dma2 semaphore(%run_scoped3A : memref<!tpu.dma_semaphore, #tpu.memory_space<semaphore_mem>>) src(%dma_wait3A_37 : memref<79x128xi32, #tpu.memory_space<hbm>>) dst(%arg7 : memref<79x128xi32, #tpu.memory_space<vmem>>)
      tpu.yield
    }) : () -> ()
    "tpu.region"() ({
      %run_scoped3A = tpu.sem_alloc : memref<!tpu.dma_semaphore, #tpu.memory_space<semaphore_mem>>
      %dma_start3A = arith.constant 0 : i32
      %dma_start3A_24 = arith.constant 0 : i32
      %dma_start3A_25 = tpu.memref_slice %arg4[%add3A, %dma_start3A, %dma_start3A_24] : memref<32x79x128xi32, #tpu.memory_space<hbm>> -> memref<1x79x128xi32, #tpu.memory_space<hbm>>
      %dma_start3A_26 = tpu.memref_squeeze %dma_start3A_25 : memref<1x79x128xi32, #tpu.memory_space<hbm>> -> memref<79x128xi32, #tpu.memory_space<hbm>>
      %dma_start3A_27 = arith.constant 0 : i32
      %dma_start3A_28 = arith.constant 0 : i32
      %dma_start3A_29 = tpu.memref_slice %arg4[%add3A, %dma_start3A_27, %dma_start3A_28] : memref<32x79x128xi32, #tpu.memory_space<hbm>> -> memref<1x79x128xi32, #tpu.memory_space<hbm>>
      %dma_start3A_30 = tpu.memref_squeeze %dma_start3A_29 : memref<1x79x128xi32, #tpu.memory_space<hbm>> -> memref<79x128xi32, #tpu.memory_space<hbm>>
      tpu.enqueue_dma source(%dma_start3A_30 : memref<79x128xi32, #tpu.memory_space<hbm>>) target(%arg8 : memref<79x128xi32, #tpu.memory_space<vmem>>) target_semaphore(%run_scoped3A : memref<!tpu.dma_semaphore, #tpu.memory_space<semaphore_mem>>)
      %dma_wait3A = arith.constant 0 : i32
      %dma_wait3A_31 = arith.constant 0 : i32
      %dma_wait3A_32 = tpu.memref_slice %arg4[%add3A, %dma_wait3A, %dma_wait3A_31] : memref<32x79x128xi32, #tpu.memory_space<hbm>> -> memref<1x79x128xi32, #tpu.memory_space<hbm>>
      %dma_wait3A_33 = tpu.memref_squeeze %dma_wait3A_32 : memref<1x79x128xi32, #tpu.memory_space<hbm>> -> memref<79x128xi32, #tpu.memory_space<hbm>>
      %dma_wait3A_34 = arith.constant 0 : i32
      %dma_wait3A_35 = arith.constant 0 : i32
      %dma_wait3A_36 = tpu.memref_slice %arg4[%add3A, %dma_wait3A_34, %dma_wait3A_35] : memref<32x79x128xi32, #tpu.memory_space<hbm>> -> memref<1x79x128xi32, #tpu.memory_space<hbm>>
      %dma_wait3A_37 = tpu.memref_squeeze %dma_wait3A_36 : memref<1x79x128xi32, #tpu.memory_space<hbm>> -> memref<79x128xi32, #tpu.memory_space<hbm>>
      tpu.wait_dma2 semaphore(%run_scoped3A : memref<!tpu.dma_semaphore, #tpu.memory_space<semaphore_mem>>) src(%dma_wait3A_37 : memref<79x128xi32, #tpu.memory_space<hbm>>) dst(%arg8 : memref<79x128xi32, #tpu.memory_space<vmem>>)
      tpu.yield
    }) : () -> ()
    "tpu.region"() ({
      %run_scoped3A = tpu.sem_alloc : memref<!tpu.dma_semaphore, #tpu.memory_space<semaphore_mem>>
      %dma_start3A = arith.constant 0 : i32
      %dma_start3A_24 = arith.constant 0 : i32
      %dma_start3A_25 = tpu.memref_slice %arg5[%add3A, %dma_start3A, %dma_start3A_24] : memref<32x79x128xf32, #tpu.memory_space<hbm>> -> memref<1x79x128xf32, #tpu.memory_space<hbm>>
      %dma_start3A_26 = tpu.memref_squeeze %dma_start3A_25 : memref<1x79x128xf32, #tpu.memory_space<hbm>> -> memref<79x128xf32, #tpu.memory_space<hbm>>
      %dma_start3A_27 = arith.constant 0 : i32
      %dma_start3A_28 = arith.constant 0 : i32
      %dma_start3A_29 = tpu.memref_slice %arg5[%add3A, %dma_start3A_27, %dma_start3A_28] : memref<32x79x128xf32, #tpu.memory_space<hbm>> -> memref<1x79x128xf32, #tpu.memory_space<hbm>>
      %dma_start3A_30 = tpu.memref_squeeze %dma_start3A_29 : memref<1x79x128xf32, #tpu.memory_space<hbm>> -> memref<79x128xf32, #tpu.memory_space<hbm>>
      tpu.enqueue_dma source(%dma_start3A_30 : memref<79x128xf32, #tpu.memory_space<hbm>>) target(%arg9 : memref<79x128xf32, #tpu.memory_space<vmem>>) target_semaphore(%run_scoped3A : memref<!tpu.dma_semaphore, #tpu.memory_space<semaphore_mem>>)
      %dma_wait3A = arith.constant 0 : i32
      %dma_wait3A_31 = arith.constant 0 : i32
      %dma_wait3A_32 = tpu.memref_slice %arg5[%add3A, %dma_wait3A, %dma_wait3A_31] : memref<32x79x128xf32, #tpu.memory_space<hbm>> -> memref<1x79x128xf32, #tpu.memory_space<hbm>>
      %dma_wait3A_33 = tpu.memref_squeeze %dma_wait3A_32 : memref<1x79x128xf32, #tpu.memory_space<hbm>> -> memref<79x128xf32, #tpu.memory_space<hbm>>
      %dma_wait3A_34 = arith.constant 0 : i32
      %dma_wait3A_35 = arith.constant 0 : i32
      %dma_wait3A_36 = tpu.memref_slice %arg5[%add3A, %dma_wait3A_34, %dma_wait3A_35] : memref<32x79x128xf32, #tpu.memory_space<hbm>> -> memref<1x79x128xf32, #tpu.memory_space<hbm>>
      %dma_wait3A_37 = tpu.memref_squeeze %dma_wait3A_36 : memref<1x79x128xf32, #tpu.memory_space<hbm>> -> memref<79x128xf32, #tpu.memory_space<hbm>>
      tpu.wait_dma2 semaphore(%run_scoped3A : memref<!tpu.dma_semaphore, #tpu.memory_space<semaphore_mem>>) src(%dma_wait3A_37 : memref<79x128xf32, #tpu.memory_space<hbm>>) dst(%arg9 : memref<79x128xf32, #tpu.memory_space<vmem>>)
      tpu.yield
    }) : () -> ()
    %broadcast_in_dim3A = arith.constant 0.000000e+00 : f32
    %broadcast_in_dim3A_1 = vector.broadcast %broadcast_in_dim3A : f32 to vector<16xf32>
    %scan3A = arith.constant 0 : i32
    %scan3A_2 = arith.constant 128 : i32
    %scan3A_3 = arith.addi %scan3A, %scan3A_2 : i32
    %scan3A_4 = arith.constant 1 : i32
    scf.for %scan3A_24 = %scan3A to %scan3A_3 step %scan3A_4  : i32 {
      %mul3A_25 = arith.constant 1 : i32
      %mul3A_26 = arith.muli %scan3A_24, %mul3A_25 : i32
      %add3A_27 = arith.constant 0 : i32
      %add3A_28 = arith.addi %add3A_27, %mul3A_26 : i32
      %swap3A = arith.index_cast %add3A_28 : i32 to index
      %swap3A_29 = arith.constant 0 : index
      %swap3A_30 = tpu.vector_load %arg10[%swap3A, %swap3A_29] {strides = array<i32>} : memref<128x128xf32, #tpu.memory_space<vmem>>, vector<16xf32>,
      tpu.vector_store %arg10[%swap3A, %swap3A_29], %broadcast_in_dim3A_1 {strides = array<i32>} : memref<128x128xf32, #tpu.memory_space<vmem>>, vector<16xf32>,
      %swap3A_31 = arith.index_cast %add3A_28 : i32 to index
      %swap3A_32 = arith.constant 16 : index
      %swap3A_33 = tpu.vector_load %arg10[%swap3A_31, %swap3A_32] {strides = array<i32>} : memref<128x128xf32, #tpu.memory_space<vmem>>, vector<16xf32>,
      tpu.vector_store %arg10[%swap3A_31, %swap3A_32], %broadcast_in_dim3A_1 {strides = array<i32>} : memref<128x128xf32, #tpu.memory_space<vmem>>, vector<16xf32>,
      %swap3A_34 = arith.index_cast %add3A_28 : i32 to index
      %swap3A_35 = arith.constant 32 : index
      %swap3A_36 = tpu.vector_load %arg10[%swap3A_34, %swap3A_35] {strides = array<i32>} : memref<128x128xf32, #tpu.memory_space<vmem>>, vector<16xf32>,
      tpu.vector_store %arg10[%swap3A_34, %swap3A_35], %broadcast_in_dim3A_1 {strides = array<i32>} : memref<128x128xf32, #tpu.memory_space<vmem>>, vector<16xf32>,
      %swap3A_37 = arith.index_cast %add3A_28 : i32 to index
      %swap3A_38 = arith.constant 48 : index
      %swap3A_39 = tpu.vector_load %arg10[%swap3A_37, %swap3A_38] {strides = array<i32>} : memref<128x128xf32, #tpu.memory_space<vmem>>, vector<16xf32>,
      tpu.vector_store %arg10[%swap3A_37, %swap3A_38], %broadcast_in_dim3A_1 {strides = array<i32>} : memref<128x128xf32, #tpu.memory_space<vmem>>, vector<16xf32>,
      %swap3A_40 = arith.index_cast %add3A_28 : i32 to index
      %swap3A_41 = arith.constant 64 : index
      %swap3A_42 = tpu.vector_load %arg10[%swap3A_40, %swap3A_41] {strides = array<i32>} : memref<128x128xf32, #tpu.memory_space<vmem>>, vector<16xf32>,
      tpu.vector_store %arg10[%swap3A_40, %swap3A_41], %broadcast_in_dim3A_1 {strides = array<i32>} : memref<128x128xf32, #tpu.memory_space<vmem>>, vector<16xf32>,
      %swap3A_43 = arith.index_cast %add3A_28 : i32 to index
      %swap3A_44 = arith.constant 80 : index
      %swap3A_45 = tpu.vector_load %arg10[%swap3A_43, %swap3A_44] {strides = array<i32>} : memref<128x128xf32, #tpu.memory_space<vmem>>, vector<16xf32>,
      tpu.vector_store %arg10[%swap3A_43, %swap3A_44], %broadcast_in_dim3A_1 {strides = array<i32>} : memref<128x128xf32, #tpu.memory_space<vmem>>, vector<16xf32>,
      %swap3A_46 = arith.index_cast %add3A_28 : i32 to index
      %swap3A_47 = arith.constant 96 : index
      %swap3A_48 = tpu.vector_load %arg10[%swap3A_46, %swap3A_47] {strides = array<i32>} : memref<128x128xf32, #tpu.memory_space<vmem>>, vector<16xf32>,
      tpu.vector_store %arg10[%swap3A_46, %swap3A_47], %broadcast_in_dim3A_1 {strides = array<i32>} : memref<128x128xf32, #tpu.memory_space<vmem>>, vector<16xf32>,
      %swap3A_49 = arith.index_cast %add3A_28 : i32 to index
      %swap3A_50 = arith.constant 112 : index
      %swap3A_51 = tpu.vector_load %arg10[%swap3A_49, %swap3A_50] {strides = array<i32>} : memref<128x128xf32, #tpu.memory_space<vmem>>, vector<16xf32>,
      tpu.vector_store %arg10[%swap3A_49, %swap3A_50], %broadcast_in_dim3A_1 {strides = array<i32>} : memref<128x128xf32, #tpu.memory_space<vmem>>, vector<16xf32>,
    }
    %scan3A_5 = arith.constant 128 : i32
    %mul3A_6 = arith.constant 632 : i32
    %mul3A_7 = arith.muli %arg1, %mul3A_6 : i32
    %add3A_8 = arith.constant 0 : i32
    %add3A_9 = arith.addi %mul3A_7, %add3A_8 : i32
    "tpu.region"() ({
      %run_scoped3A = tpu.sem_alloc : memref<!tpu.dma_semaphore, #tpu.memory_space<semaphore_mem>>
      %dma_start3A = arith.constant 0 : i32
      %dma_start3A_24 = arith.constant 0 : i32
      %dma_start3A_25 = tpu.memref_slice %arg10[%dma_start3A, %dma_start3A_24] : memref<128x128xf32, #tpu.memory_space<vmem>> -> memref<128x128xf32, #tpu.memory_space<vmem>>
      %dma_start3A_26 = arith.constant 0 : i32
      %dma_start3A_27 = tpu.memref_slice %arg11[%add3A_9, %dma_start3A_26] : memref<10112x128xf32, #tpu.memory_space<vmem_shared>> -> memref<128x128xf32, #tpu.memory_space<vmem_shared>>
      %dma_start3A_28 = arith.constant 0 : i32
      %dma_start3A_29 = tpu.memref_slice %arg11[%add3A_9, %dma_start3A_28] : memref<10112x128xf32, #tpu.memory_space<vmem_shared>> -> memref<128x128xf32, #tpu.memory_space<vmem_shared>>
      %dma_start3A_30 = arith.constant 0 : i32
      %dma_start3A_31 = arith.constant 0 : i32
      %dma_start3A_32 = tpu.memref_slice %arg10[%dma_start3A_30, %dma_start3A_31] : memref<128x128xf32, #tpu.memory_space<vmem>> -> memref<128x128xf32, #tpu.memory_space<vmem>>
      tpu.enqueue_dma source(%dma_start3A_32 : memref<128x128xf32, #tpu.memory_space<vmem>>) target(%dma_start3A_29 : memref<128x128xf32, #tpu.memory_space<vmem_shared>>) target_semaphore(%run_scoped3A : memref<!tpu.dma_semaphore, #tpu.memory_space<semaphore_mem>>)
      %dma_wait3A = arith.constant 0 : i32
      %dma_wait3A_33 = arith.constant 0 : i32
      %dma_wait3A_34 = tpu.memref_slice %arg10[%dma_wait3A, %dma_wait3A_33] : memref<128x128xf32, #tpu.memory_space<vmem>> -> memref<128x128xf32, #tpu.memory_space<vmem>>
      %dma_wait3A_35 = arith.constant 0 : i32
      %dma_wait3A_36 = tpu.memref_slice %arg11[%add3A_9, %dma_wait3A_35] : memref<10112x128xf32, #tpu.memory_space<vmem_shared>> -> memref<128x128xf32, #tpu.memory_space<vmem_shared>>
      %dma_wait3A_37 = arith.constant 0 : i32
      %dma_wait3A_38 = tpu.memref_slice %arg11[%add3A_9, %dma_wait3A_37] : memref<10112x128xf32, #tpu.memory_space<vmem_shared>> -> memref<128x128xf32, #tpu.memory_space<vmem_shared>>
      %dma_wait3A_39 = arith.constant 0 : i32
      %dma_wait3A_40 = arith.constant 0 : i32
      %dma_wait3A_41 = tpu.memref_slice %arg10[%dma_wait3A_39, %dma_wait3A_40] : memref<128x128xf32, #tpu.memory_space<vmem>> -> memref<128x128xf32, #tpu.memory_space<vmem>>
      tpu.wait_dma2 semaphore(%run_scoped3A : memref<!tpu.dma_semaphore, #tpu.memory_space<semaphore_mem>>) src(%dma_wait3A_41 : memref<128x128xf32, #tpu.memory_space<vmem>>) dst(%dma_wait3A_38 : memref<128x128xf32, #tpu.memory_space<vmem_shared>>)
      tpu.yield
    }) : () -> ()
    %add3A_10 = arith.constant 128 : i32
    %add3A_11 = arith.addi %mul3A_7, %add3A_10 : i32
    "tpu.region"() ({
      %run_scoped3A = tpu.sem_alloc : memref<!tpu.dma_semaphore, #tpu.memory_space<semaphore_mem>>
      %dma_start3A = arith.constant 0 : i32
      %dma_start3A_24 = arith.constant 0 : i32
      %dma_start3A_25 = tpu.memref_slice %arg10[%dma_start3A, %dma_start3A_24] : memref<128x128xf32, #tpu.memory_space<vmem>> -> memref<128x128xf32, #tpu.memory_space<vmem>>
      %dma_start3A_26 = arith.constant 0 : i32
      %dma_start3A_27 = tpu.memref_slice %arg11[%add3A_11, %dma_start3A_26] : memref<10112x128xf32, #tpu.memory_space<vmem_shared>> -> memref<128x128xf32, #tpu.memory_space<vmem_shared>>
      %dma_start3A_28 = arith.constant 0 : i32
      %dma_start3A_29 = tpu.memref_slice %arg11[%add3A_11, %dma_start3A_28] : memref<10112x128xf32, #tpu.memory_space<vmem_shared>> -> memref<128x128xf32, #tpu.memory_space<vmem_shared>>
      %dma_start3A_30 = arith.constant 0 : i32
      %dma_start3A_31 = arith.constant 0 : i32
      %dma_start3A_32 = tpu.memref_slice %arg10[%dma_start3A_30, %dma_start3A_31] : memref<128x128xf32, #tpu.memory_space<vmem>> -> memref<128x128xf32, #tpu.memory_space<vmem>>
      tpu.enqueue_dma source(%dma_start3A_32 : memref<128x128xf32, #tpu.memory_space<vmem>>) target(%dma_start3A_29 : memref<128x128xf32, #tpu.memory_space<vmem_shared>>) target_semaphore(%run_scoped3A : memref<!tpu.dma_semaphore, #tpu.memory_space<semaphore_mem>>)
      %dma_wait3A = arith.constant 0 : i32
      %dma_wait3A_33 = arith.constant 0 : i32
      %dma_wait3A_34 = tpu.memref_slice %arg10[%dma_wait3A, %dma_wait3A_33] : memref<128x128xf32, #tpu.memory_space<vmem>> -> memref<128x128xf32, #tpu.memory_space<vmem>>
      %dma_wait3A_35 = arith.constant 0 : i32
      %dma_wait3A_36 = tpu.memref_slice %arg11[%add3A_11, %dma_wait3A_35] : memref<10112x128xf32, #tpu.memory_space<vmem_shared>> -> memref<128x128xf32, #tpu.memory_space<vmem_shared>>
      %dma_wait3A_37 = arith.constant 0 : i32
      %dma_wait3A_38 = tpu.memref_slice %arg11[%add3A_11, %dma_wait3A_37] : memref<10112x128xf32, #tpu.memory_space<vmem_shared>> -> memref<128x128xf32, #tpu.memory_space<vmem_shared>>
      %dma_wait3A_39 = arith.constant 0 : i32
      %dma_wait3A_40 = arith.constant 0 : i32
      %dma_wait3A_41 = tpu.memref_slice %arg10[%dma_wait3A_39, %dma_wait3A_40] : memref<128x128xf32, #tpu.memory_space<vmem>> -> memref<128x128xf32, #tpu.memory_space<vmem>>
      tpu.wait_dma2 semaphore(%run_scoped3A : memref<!tpu.dma_semaphore, #tpu.memory_space<semaphore_mem>>) src(%dma_wait3A_41 : memref<128x128xf32, #tpu.memory_space<vmem>>) dst(%dma_wait3A_38 : memref<128x128xf32, #tpu.memory_space<vmem_shared>>)
      tpu.yield
    }) : () -> ()
    %add3A_12 = arith.constant 256 : i32
    %add3A_13 = arith.addi %mul3A_7, %add3A_12 : i32
    "tpu.region"() ({
      %run_scoped3A = tpu.sem_alloc : memref<!tpu.dma_semaphore, #tpu.memory_space<semaphore_mem>>
      %dma_start3A = arith.constant 0 : i32
      %dma_start3A_24 = arith.constant 0 : i32
      %dma_start3A_25 = tpu.memref_slice %arg10[%dma_start3A, %dma_start3A_24] : memref<128x128xf32, #tpu.memory_space<vmem>> -> memref<128x128xf32, #tpu.memory_space<vmem>>
      %dma_start3A_26 = arith.constant 0 : i32
      %dma_start3A_27 = tpu.memref_slice %arg11[%add3A_13, %dma_start3A_26] : memref<10112x128xf32, #tpu.memory_space<vmem_shared>> -> memref<128x128xf32, #tpu.memory_space<vmem_shared>>
      %dma_start3A_28 = arith.constant 0 : i32
      %dma_start3A_29 = tpu.memref_slice %arg11[%add3A_13, %dma_start3A_28] : memref<10112x128xf32, #tpu.memory_space<vmem_shared>> -> memref<128x128xf32, #tpu.memory_space<vmem_shared>>
      %dma_start3A_30 = arith.constant 0 : i32
      %dma_start3A_31 = arith.constant 0 : i32
      %dma_start3A_32 = tpu.memref_slice %arg10[%dma_start3A_30, %dma_start3A_31] : memref<128x128xf32, #tpu.memory_space<vmem>> -> memref<128x128xf32, #tpu.memory_space<vmem>>
      tpu.enqueue_dma source(%dma_start3A_32 : memref<128x128xf32, #tpu.memory_space<vmem>>) target(%dma_start3A_29 : memref<128x128xf32, #tpu.memory_space<vmem_shared>>) target_semaphore(%run_scoped3A : memref<!tpu.dma_semaphore, #tpu.memory_space<semaphore_mem>>)
      %dma_wait3A = arith.constant 0 : i32
      %dma_wait3A_33 = arith.constant 0 : i32
      %dma_wait3A_34 = tpu.memref_slice %arg10[%dma_wait3A, %dma_wait3A_33] : memref<128x128xf32, #tpu.memory_space<vmem>> -> memref<128x128xf32, #tpu.memory_space<vmem>>
      %dma_wait3A_35 = arith.constant 0 : i32
      %dma_wait3A_36 = tpu.memref_slice %arg11[%add3A_13, %dma_wait3A_35] : memref<10112x128xf32, #tpu.memory_space<vmem_shared>> -> memref<128x128xf32, #tpu.memory_space<vmem_shared>>
      %dma_wait3A_37 = arith.constant 0 : i32
      %dma_wait3A_38 = tpu.memref_slice %arg11[%add3A_13, %dma_wait3A_37] : memref<10112x128xf32, #tpu.memory_space<vmem_shared>> -> memref<128x128xf32, #tpu.memory_space<vmem_shared>>
      %dma_wait3A_39 = arith.constant 0 : i32
      %dma_wait3A_40 = arith.constant 0 : i32
      %dma_wait3A_41 = tpu.memref_slice %arg10[%dma_wait3A_39, %dma_wait3A_40] : memref<128x128xf32, #tpu.memory_space<vmem>> -> memref<128x128xf32, #tpu.memory_space<vmem>>
      tpu.wait_dma2 semaphore(%run_scoped3A : memref<!tpu.dma_semaphore, #tpu.memory_space<semaphore_mem>>) src(%dma_wait3A_41 : memref<128x128xf32, #tpu.memory_space<vmem>>) dst(%dma_wait3A_38 : memref<128x128xf32, #tpu.memory_space<vmem_shared>>)
      tpu.yield
    }) : () -> ()
    %add3A_14 = arith.constant 384 : i32
    %add3A_15 = arith.addi %mul3A_7, %add3A_14 : i32
    "tpu.region"() ({
      %run_scoped3A = tpu.sem_alloc : memref<!tpu.dma_semaphore, #tpu.memory_space<semaphore_mem>>
      %dma_start3A = arith.constant 0 : i32
      %dma_start3A_24 = arith.constant 0 : i32
      %dma_start3A_25 = tpu.memref_slice %arg10[%dma_start3A, %dma_start3A_24] : memref<128x128xf32, #tpu.memory_space<vmem>> -> memref<128x128xf32, #tpu.memory_space<vmem>>
      %dma_start3A_26 = arith.constant 0 : i32
      %dma_start3A_27 = tpu.memref_slice %arg11[%add3A_15, %dma_start3A_26] : memref<10112x128xf32, #tpu.memory_space<vmem_shared>> -> memref<128x128xf32, #tpu.memory_space<vmem_shared>>
      %dma_start3A_28 = arith.constant 0 : i32
      %dma_start3A_29 = tpu.memref_slice %arg11[%add3A_15, %dma_start3A_28] : memref<10112x128xf32, #tpu.memory_space<vmem_shared>> -> memref<128x128xf32, #tpu.memory_space<vmem_shared>>
      %dma_start3A_30 = arith.constant 0 : i32
      %dma_start3A_31 = arith.constant 0 : i32
      %dma_start3A_32 = tpu.memref_slice %arg10[%dma_start3A_30, %dma_start3A_31] : memref<128x128xf32, #tpu.memory_space<vmem>> -> memref<128x128xf32, #tpu.memory_space<vmem>>
      tpu.enqueue_dma source(%dma_start3A_32 : memref<128x128xf32, #tpu.memory_space<vmem>>) target(%dma_start3A_29 : memref<128x128xf32, #tpu.memory_space<vmem_shared>>) target_semaphore(%run_scoped3A : memref<!tpu.dma_semaphore, #tpu.memory_space<semaphore_mem>>)
      %dma_wait3A = arith.constant 0 : i32
      %dma_wait3A_33 = arith.constant 0 : i32
      %dma_wait3A_34 = tpu.memref_slice %arg10[%dma_wait3A, %dma_wait3A_33] : memref<128x128xf32, #tpu.memory_space<vmem>> -> memref<128x128xf32, #tpu.memory_space<vmem>>
      %dma_wait3A_35 = arith.constant 0 : i32
      %dma_wait3A_36 = tpu.memref_slice %arg11[%add3A_15, %dma_wait3A_35] : memref<10112x128xf32, #tpu.memory_space<vmem_shared>> -> memref<128x128xf32, #tpu.memory_space<vmem_shared>>
      %dma_wait3A_37 = arith.constant 0 : i32
      %dma_wait3A_38 = tpu.memref_slice %arg11[%add3A_15, %dma_wait3A_37] : memref<10112x128xf32, #tpu.memory_space<vmem_shared>> -> memref<128x128xf32, #tpu.memory_space<vmem_shared>>
      %dma_wait3A_39 = arith.constant 0 : i32
      %dma_wait3A_40 = arith.constant 0 : i32
      %dma_wait3A_41 = tpu.memref_slice %arg10[%dma_wait3A_39, %dma_wait3A_40] : memref<128x128xf32, #tpu.memory_space<vmem>> -> memref<128x128xf32, #tpu.memory_space<vmem>>
      tpu.wait_dma2 semaphore(%run_scoped3A : memref<!tpu.dma_semaphore, #tpu.memory_space<semaphore_mem>>) src(%dma_wait3A_41 : memref<128x128xf32, #tpu.memory_space<vmem>>) dst(%dma_wait3A_38 : memref<128x128xf32, #tpu.memory_space<vmem_shared>>)
      tpu.yield
    }) : () -> ()
    %add3A_16 = arith.constant 512 : i32
    %add3A_17 = arith.addi %mul3A_7, %add3A_16 : i32
    "tpu.region"() ({
      %run_scoped3A = tpu.sem_alloc : memref<!tpu.dma_semaphore, #tpu.memory_space<semaphore_mem>>
      %dma_start3A = arith.constant 0 : i32
      %dma_start3A_24 = arith.constant 0 : i32
      %dma_start3A_25 = tpu.memref_slice %arg10[%dma_start3A, %dma_start3A_24] : memref<128x128xf32, #tpu.memory_space<vmem>> -> memref<120x128xf32, #tpu.memory_space<vmem>>
      %dma_start3A_26 = arith.constant 0 : i32
      %dma_start3A_27 = tpu.memref_slice %arg11[%add3A_17, %dma_start3A_26] : memref<10112x128xf32, #tpu.memory_space<vmem_shared>> -> memref<120x128xf32, #tpu.memory_space<vmem_shared>>
      %dma_start3A_28 = arith.constant 0 : i32
      %dma_start3A_29 = tpu.memref_slice %arg11[%add3A_17, %dma_start3A_28] : memref<10112x128xf32, #tpu.memory_space<vmem_shared>> -> memref<120x128xf32, #tpu.memory_space<vmem_shared>>
      %dma_start3A_30 = arith.constant 0 : i32
      %dma_start3A_31 = arith.constant 0 : i32
      %dma_start3A_32 = tpu.memref_slice %arg10[%dma_start3A_30, %dma_start3A_31] : memref<128x128xf32, #tpu.memory_space<vmem>> -> memref<120x128xf32, #tpu.memory_space<vmem>>
      tpu.enqueue_dma source(%dma_start3A_32 : memref<120x128xf32, #tpu.memory_space<vmem>>) target(%dma_start3A_29 : memref<120x128xf32, #tpu.memory_space<vmem_shared>>) target_semaphore(%run_scoped3A : memref<!tpu.dma_semaphore, #tpu.memory_space<semaphore_mem>>)
      %dma_wait3A = arith.constant 0 : i32
      %dma_wait3A_33 = arith.constant 0 : i32
      %dma_wait3A_34 = tpu.memref_slice %arg10[%dma_wait3A, %dma_wait3A_33] : memref<128x128xf32, #tpu.memory_space<vmem>> -> memref<120x128xf32, #tpu.memory_space<vmem>>
      %dma_wait3A_35 = arith.constant 0 : i32
      %dma_wait3A_36 = tpu.memref_slice %arg11[%add3A_17, %dma_wait3A_35] : memref<10112x128xf32, #tpu.memory_space<vmem_shared>> -> memref<120x128xf32, #tpu.memory_space<vmem_shared>>
      %dma_wait3A_37 = arith.constant 0 : i32
      %dma_wait3A_38 = tpu.memref_slice %arg11[%add3A_17, %dma_wait3A_37] : memref<10112x128xf32, #tpu.memory_space<vmem_shared>> -> memref<120x128xf32, #tpu.memory_space<vmem_shared>>
      %dma_wait3A_39 = arith.constant 0 : i32
      %dma_wait3A_40 = arith.constant 0 : i32
      %dma_wait3A_41 = tpu.memref_slice %arg10[%dma_wait3A_39, %dma_wait3A_40] : memref<128x128xf32, #tpu.memory_space<vmem>> -> memref<120x128xf32, #tpu.memory_space<vmem>>
      tpu.wait_dma2 semaphore(%run_scoped3A : memref<!tpu.dma_semaphore, #tpu.memory_space<semaphore_mem>>) src(%dma_wait3A_41 : memref<120x128xf32, #tpu.memory_space<vmem>>) dst(%dma_wait3A_38 : memref<120x128xf32, #tpu.memory_space<vmem_shared>>)
      tpu.yield
    }) : () -> ()
    %barrier3A = arith.constant 0 : index
    tpu.barrier barrier_id(%barrier3A)
    %scan3A_18 = arith.constant 0 : i32
    %scan3A_19 = arith.constant 79 : i32
    %scan3A_20 = arith.addi %scan3A_18, %scan3A_19 : i32
    %scan3A_21 = arith.constant 1 : i32
    scf.for %scan3A_24 = %scan3A_18 to %scan3A_20 step %scan3A_21  : i32 {
      %mul3A_25 = arith.constant 1 : i32
      %mul3A_26 = arith.muli %scan3A_24, %mul3A_25 : i32
      %add3A_27 = arith.constant 0 : i32
      %add3A_28 = arith.addi %add3A_27, %mul3A_26 : i32
      %dma_start3A = arith.constant 0 : i32
      %dma_start3A_29 = tpu.memref_slice %arg7[%add3A_28, %dma_start3A] : memref<79x128xi32, #tpu.memory_space<vmem>> -> memref<1x128xi32, #tpu.memory_space<vmem>>
      %dma_start3A_30 = tpu.memref_squeeze %dma_start3A_29 : memref<1x128xi32, #tpu.memory_space<vmem>> -> memref<128xi32, #tpu.memory_space<vmem>>
      %dma_start3A_31 = arith.constant 0 : i32
      %dma_start3A_32 = arith.constant 0 : i32
      %dma_start3A_33 = tpu.memref_slice %arg2[%dma_start3A_31, %dma_start3A_32] : memref<10000x128xf32, #tpu.memory_space<hbm>> -> memref<10000x128xf32, #tpu.memory_space<hbm>>
      tpu.enqueue_indirect_dma source(%dma_start3A_33 : memref<10000x128xf32, #tpu.memory_space<hbm>>) target(%arg10 : memref<128x128xf32, #tpu.memory_space<vmem>>) offsets(%dma_start3A_30 : memref<128xi32, #tpu.memory_space<vmem>>) semaphore(%arg12 : memref<!tpu.dma_semaphore, #tpu.memory_space<semaphore_mem>>)
      %dma_wait3A = arith.constant 0 : i32
      %dma_wait3A_34 = tpu.memref_slice %arg7[%add3A_28, %dma_wait3A] : memref<79x128xi32, #tpu.memory_space<vmem>> -> memref<1x128xi32, #tpu.memory_space<vmem>>
      %dma_wait3A_35 = tpu.memref_squeeze %dma_wait3A_34 : memref<1x128xi32, #tpu.memory_space<vmem>> -> memref<128xi32, #tpu.memory_space<vmem>>
      %dma_wait3A_36 = arith.constant 0 : i32
      %dma_wait3A_37 = arith.constant 0 : i32
      %dma_wait3A_38 = tpu.memref_slice %arg2[%dma_wait3A_36, %dma_wait3A_37] : memref<10000x128xf32, #tpu.memory_space<hbm>> -> memref<10000x128xf32, #tpu.memory_space<hbm>>
      tpu.wait_indirect_dma semaphore(%arg12 : memref<!tpu.dma_semaphore, #tpu.memory_space<semaphore_mem>>) src(%dma_wait3A_38 : memref<10000x128xf32, #tpu.memory_space<hbm>>) dst(%arg10 : memref<128x128xf32, #tpu.memory_space<vmem>>)
      %scan3A_39 = arith.constant 0 : i32
      %scan3A_40 = arith.constant 128 : i32
      %scan3A_41 = arith.addi %scan3A_39, %scan3A_40 : i32
      %scan3A_42 = arith.constant 1 : i32
      scf.for %scan3A_44 = %scan3A_39 to %scan3A_41 step %scan3A_42  : i32 {
        %mul3A_45 = arith.constant 1 : i32
        %mul3A_46 = arith.muli %scan3A_44, %mul3A_45 : i32
        %add3A_47 = arith.constant 0 : i32
        %add3A_48 = arith.addi %add3A_47, %mul3A_46 : i32
        %broadcast_in_dim3A_49 = vector.broadcast %add3A_48 : i32 to vector<16xi32>
        %gather3A = arith.constant 0 : i32
        %gather3A_50 = tpu.memref_slice %arg9[%add3A_28, %gather3A] : memref<79x128xf32, #tpu.memory_space<vmem>> -> memref<1x128xf32, #tpu.memory_space<vmem>>
        %gather3A_51 = tpu.memref_squeeze %gather3A_50 : memref<1x128xf32, #tpu.memory_space<vmem>> -> memref<128xf32, #tpu.memory_space<vmem>>
        %gather3A_52 = tpu.vector_load_idx %gather3A_51[%broadcast_in_dim3A_49] : memref<128xf32, #tpu.memory_space<vmem>>[vector<16xi32>], vector<16xf32>,
        %get3A = arith.index_cast %add3A_48 : i32 to index
        %get3A_53 = arith.constant 0 : index
        %get3A_54 = tpu.vector_load %arg10[%get3A, %get3A_53] {strides = array<i32>} : memref<128x128xf32, #tpu.memory_space<vmem>>, vector<16xf32>,
        %mul3A_55 = arith.mulf %get3A_54, %gather3A_52 : vector<16xf32>
        %swap3A = arith.index_cast %add3A_48 : i32 to index
        %swap3A_56 = arith.constant 0 : index
        %swap3A_57 = tpu.vector_load %arg10[%swap3A, %swap3A_56] {strides = array<i32>} : memref<128x128xf32, #tpu.memory_space<vmem>>, vector<16xf32>,
        tpu.vector_store %arg10[%swap3A, %swap3A_56], %mul3A_55 {strides = array<i32>} : memref<128x128xf32, #tpu.memory_space<vmem>>, vector<16xf32>,
        %get3A_58 = arith.index_cast %add3A_48 : i32 to index
        %get3A_59 = arith.constant 16 : index
        %get3A_60 = tpu.vector_load %arg10[%get3A_58, %get3A_59] {strides = array<i32>} : memref<128x128xf32, #tpu.memory_space<vmem>>, vector<16xf32>,
        %mul3A_61 = arith.mulf %get3A_60, %gather3A_52 : vector<16xf32>
        %swap3A_62 = arith.index_cast %add3A_48 : i32 to index
        %swap3A_63 = arith.constant 16 : index
        %swap3A_64 = tpu.vector_load %arg10[%swap3A_62, %swap3A_63] {strides = array<i32>} : memref<128x128xf32, #tpu.memory_space<vmem>>, vector<16xf32>,
        tpu.vector_store %arg10[%swap3A_62, %swap3A_63], %mul3A_61 {strides = array<i32>} : memref<128x128xf32, #tpu.memory_space<vmem>>, vector<16xf32>,
        %get3A_65 = arith.index_cast %add3A_48 : i32 to index
        %get3A_66 = arith.constant 32 : index
        %get3A_67 = tpu.vector_load %arg10[%get3A_65, %get3A_66] {strides = array<i32>} : memref<128x128xf32, #tpu.memory_space<vmem>>, vector<16xf32>,
        %mul3A_68 = arith.mulf %get3A_67, %gather3A_52 : vector<16xf32>
        %swap3A_69 = arith.index_cast %add3A_48 : i32 to index
        %swap3A_70 = arith.constant 32 : index
        %swap3A_71 = tpu.vector_load %arg10[%swap3A_69, %swap3A_70] {strides = array<i32>} : memref<128x128xf32, #tpu.memory_space<vmem>>, vector<16xf32>,
        tpu.vector_store %arg10[%swap3A_69, %swap3A_70], %mul3A_68 {strides = array<i32>} : memref<128x128xf32, #tpu.memory_space<vmem>>, vector<16xf32>,
        %get3A_72 = arith.index_cast %add3A_48 : i32 to index
        %get3A_73 = arith.constant 48 : index
        %get3A_74 = tpu.vector_load %arg10[%get3A_72, %get3A_73] {strides = array<i32>} : memref<128x128xf32, #tpu.memory_space<vmem>>, vector<16xf32>,
        %mul3A_75 = arith.mulf %get3A_74, %gather3A_52 : vector<16xf32>
        %swap3A_76 = arith.index_cast %add3A_48 : i32 to index
        %swap3A_77 = arith.constant 48 : index
        %swap3A_78 = tpu.vector_load %arg10[%swap3A_76, %swap3A_77] {strides = array<i32>} : memref<128x128xf32, #tpu.memory_space<vmem>>, vector<16xf32>,
        tpu.vector_store %arg10[%swap3A_76, %swap3A_77], %mul3A_75 {strides = array<i32>} : memref<128x128xf32, #tpu.memory_space<vmem>>, vector<16xf32>,
        %get3A_79 = arith.index_cast %add3A_48 : i32 to index
        %get3A_80 = arith.constant 64 : index
        %get3A_81 = tpu.vector_load %arg10[%get3A_79, %get3A_80] {strides = array<i32>} : memref<128x128xf32, #tpu.memory_space<vmem>>, vector<16xf32>,
        %mul3A_82 = arith.mulf %get3A_81, %gather3A_52 : vector<16xf32>
        %swap3A_83 = arith.index_cast %add3A_48 : i32 to index
        %swap3A_84 = arith.constant 64 : index
        %swap3A_85 = tpu.vector_load %arg10[%swap3A_83, %swap3A_84] {strides = array<i32>} : memref<128x128xf32, #tpu.memory_space<vmem>>, vector<16xf32>,
        tpu.vector_store %arg10[%swap3A_83, %swap3A_84], %mul3A_82 {strides = array<i32>} : memref<128x128xf32, #tpu.memory_space<vmem>>, vector<16xf32>,
        %get3A_86 = arith.index_cast %add3A_48 : i32 to index
        %get3A_87 = arith.constant 80 : index
        %get3A_88 = tpu.vector_load %arg10[%get3A_86, %get3A_87] {strides = array<i32>} : memref<128x128xf32, #tpu.memory_space<vmem>>, vector<16xf32>,
        %mul3A_89 = arith.mulf %get3A_88, %gather3A_52 : vector<16xf32>
        %swap3A_90 = arith.index_cast %add3A_48 : i32 to index
        %swap3A_91 = arith.constant 80 : index
        %swap3A_92 = tpu.vector_load %arg10[%swap3A_90, %swap3A_91] {strides = array<i32>} : memref<128x128xf32, #tpu.memory_space<vmem>>, vector<16xf32>,
        tpu.vector_store %arg10[%swap3A_90, %swap3A_91], %mul3A_89 {strides = array<i32>} : memref<128x128xf32, #tpu.memory_space<vmem>>, vector<16xf32>,
        %get3A_93 = arith.index_cast %add3A_48 : i32 to index
        %get3A_94 = arith.constant 96 : index
        %get3A_95 = tpu.vector_load %arg10[%get3A_93, %get3A_94] {strides = array<i32>} : memref<128x128xf32, #tpu.memory_space<vmem>>, vector<16xf32>,
        %mul3A_96 = arith.mulf %get3A_95, %gather3A_52 : vector<16xf32>
        %swap3A_97 = arith.index_cast %add3A_48 : i32 to index
        %swap3A_98 = arith.constant 96 : index
        %swap3A_99 = tpu.vector_load %arg10[%swap3A_97, %swap3A_98] {strides = array<i32>} : memref<128x128xf32, #tpu.memory_space<vmem>>, vector<16xf32>,
        tpu.vector_store %arg10[%swap3A_97, %swap3A_98], %mul3A_96 {strides = array<i32>} : memref<128x128xf32, #tpu.memory_space<vmem>>, vector<16xf32>,
        %get3A_100 = arith.index_cast %add3A_48 : i32 to index
        %get3A_101 = arith.constant 112 : index
        %get3A_102 = tpu.vector_load %arg10[%get3A_100, %get3A_101] {strides = array<i32>} : memref<128x128xf32, #tpu.memory_space<vmem>>, vector<16xf32>,
        %mul3A_103 = arith.mulf %get3A_102, %gather3A_52 : vector<16xf32>
        %swap3A_104 = arith.index_cast %add3A_48 : i32 to index
        %swap3A_105 = arith.constant 112 : index
        %swap3A_106 = tpu.vector_load %arg10[%swap3A_104, %swap3A_105] {strides = array<i32>} : memref<128x128xf32, #tpu.memory_space<vmem>>, vector<16xf32>,
        tpu.vector_store %arg10[%swap3A_104, %swap3A_105], %mul3A_103 {strides = array<i32>} : memref<128x128xf32, #tpu.memory_space<vmem>>, vector<16xf32>,
      }
      %scan3A_43 = arith.constant 128 : i32
      "tpu.region"() ({
        %run_scoped3A = tpu.sem_alloc : memref<!tpu.dma_semaphore, #tpu.memory_space<semaphore_mem>>
        %dma_start3A_44 = arith.constant 0 : i32
        %dma_start3A_45 = tpu.memref_slice %arg8[%add3A_28, %dma_start3A_44] : memref<79x128xi32, #tpu.memory_space<vmem>> -> memref<1x128xi32, #tpu.memory_space<vmem>>
        %dma_start3A_46 = tpu.memref_squeeze %dma_start3A_45 : memref<1x128xi32, #tpu.memory_space<vmem>> -> memref<128xi32, #tpu.memory_space<vmem>>
        %dma_start3A_47 = arith.constant 0 : i32
        %dma_start3A_48 = arith.constant 0 : i32
        %dma_start3A_49 = tpu.memref_slice %arg11[%dma_start3A_47, %dma_start3A_48] : memref<10112x128xf32, #tpu.memory_space<vmem_shared>> -> memref<10112x128xf32, #tpu.memory_space<vmem_shared>>
        tpu.enqueue_indirect_dma source(%arg10 : memref<128x128xf32, #tpu.memory_space<vmem>>) target(%dma_start3A_49 : memref<10112x128xf32, #tpu.memory_space<vmem_shared>>) offsets(%dma_start3A_46 : memref<128xi32, #tpu.memory_space<vmem>>) semaphore(%run_scoped3A : memref<!tpu.dma_semaphore, #tpu.memory_space<semaphore_mem>>) {add = true}
        %dma_wait3A_50 = arith.constant 0 : i32
        %dma_wait3A_51 = tpu.memref_slice %arg8[%add3A_28, %dma_wait3A_50] : memref<79x128xi32, #tpu.memory_space<vmem>> -> memref<1x128xi32, #tpu.memory_space<vmem>>
        %dma_wait3A_52 = tpu.memref_squeeze %dma_wait3A_51 : memref<1x128xi32, #tpu.memory_space<vmem>> -> memref<128xi32, #tpu.memory_space<vmem>>
        %dma_wait3A_53 = arith.constant 0 : i32
        %dma_wait3A_54 = arith.constant 0 : i32
        %dma_wait3A_55 = tpu.memref_slice %arg11[%dma_wait3A_53, %dma_wait3A_54] : memref<10112x128xf32, #tpu.memory_space<vmem_shared>> -> memref<10112x128xf32, #tpu.memory_space<vmem_shared>>
        tpu.wait_indirect_dma semaphore(%run_scoped3A : memref<!tpu.dma_semaphore, #tpu.memory_space<semaphore_mem>>) src(%arg10 : memref<128x128xf32, #tpu.memory_space<vmem>>) dst(%dma_wait3A_55 : memref<10112x128xf32, #tpu.memory_space<vmem_shared>>)
        tpu.yield
      }) : () -> ()
    }
    %scan3A_22 = arith.constant 79 : i32
    %barrier3A_23 = arith.constant 0 : index
    tpu.barrier barrier_id(%barrier3A_23)
    "tpu.region"() ({
      %run_scoped3A = tpu.sem_alloc : memref<!tpu.dma_semaphore, #tpu.memory_space<semaphore_mem>>
      %dma_start3A = arith.constant 0 : i32
      %dma_start3A_24 = tpu.memref_slice %arg6[%arg0, %mul3A_7, %dma_start3A] : memref<2x10112x128xf32, #tpu.memory_space<hbm>> -> memref<1x632x128xf32, #tpu.memory_space<hbm>>
      %dma_start3A_25 = tpu.memref_squeeze %dma_start3A_24 : memref<1x632x128xf32, #tpu.memory_space<hbm>> -> memref<632x128xf32, #tpu.memory_space<hbm>>
      %dma_start3A_26 = arith.constant 0 : i32
      %dma_start3A_27 = tpu.memref_slice %arg11[%mul3A_7, %dma_start3A_26] : memref<10112x128xf32, #tpu.memory_space<vmem_shared>> -> memref<632x128xf32, #tpu.memory_space<vmem_shared>>
      tpu.enqueue_dma source(%dma_start3A_27 : memref<632x128xf32, #tpu.memory_space<vmem_shared>>) target(%dma_start3A_25 : memref<632x128xf32, #tpu.memory_space<hbm>>) target_semaphore(%run_scoped3A : memref<!tpu.dma_semaphore, #tpu.memory_space<semaphore_mem>>)
      %dma_wait3A = arith.constant 0 : i32
      %dma_wait3A_28 = tpu.memref_slice %arg6[%arg0, %mul3A_7, %dma_wait3A] : memref<2x10112x128xf32, #tpu.memory_space<hbm>> -> memref<1x632x128xf32, #tpu.memory_space<hbm>>
      %dma_wait3A_29 = tpu.memref_squeeze %dma_wait3A_28 : memref<1x632x128xf32, #tpu.memory_space<hbm>> -> memref<632x128xf32, #tpu.memory_space<hbm>>
      %dma_wait3A_30 = arith.constant 0 : i32
      %dma_wait3A_31 = tpu.memref_slice %arg11[%mul3A_7, %dma_wait3A_30] : memref<10112x128xf32, #tpu.memory_space<vmem_shared>> -> memref<632x128xf32, #tpu.memory_space<vmem_shared>>
      tpu.wait_dma2 semaphore(%run_scoped3A : memref<!tpu.dma_semaphore, #tpu.memory_space<semaphore_mem>>) src(%dma_wait3A_31 : memref<632x128xf32, #tpu.memory_space<vmem_shared>>) dst(%dma_wait3A_29 : memref<632x128xf32, #tpu.memory_space<hbm>>)
      tpu.yield
    }) : () -> ()
    return
  }
}

module attributes {stable_mosaic.version = 14 : i64} {
  func.func @_h_block(%arg0: i32, %arg1: memref<400x128xf32, #tpu.memory_space<vmem>>, %arg2: memref<128x128xf32, #tpu.memory_space<vmem>>, %arg3: memref<400x128xf32, #tpu.memory_space<vmem>>) attributes {dimension_semantics = [#tpu.dimension_semantics<arbitrary>], iteration_bounds = array<i64: 25>, scalar_prefetch = 0 : i64, scratch_operands = 0 : i64, tpu.core_type = #tpu.core_type<tc>, window_params = [{transform_indices = @transform_0, window_bounds = array<i64: 400, 128>}, {pipeline_mode = #tpu.pipeline_mode<synchronous>, transform_indices = @transform_1, window_bounds = array<i64: 128, 128>}, {transform_indices = @transform_2, window_bounds = array<i64: 400, 128>}]} {
    %get3A = arith.constant 0 : index
    %get3A_0 = arith.constant 0 : index
    %get3A_1 = vector.load %arg1[%get3A, %get3A_0] : memref<400x128xf32, #tpu.memory_space<vmem>>, vector<400x128xf32>
    %get3A_2 = arith.constant 0 : index
    %get3A_3 = arith.constant 0 : index
    %get3A_4 = vector.load %arg2[%get3A_2, %get3A_3] : memref<128x128xf32, #tpu.memory_space<vmem>>, vector<128x128xf32>
    %dot_general3A = arith.constant dense<0.000000e+00> : vector<400x128xf32>
    %dot_general3A_5 = tpu.matmul %get3A_1, %get3A_4, %dot_general3A {dimension_numbers = #tpu.dot_dimension_numbers<[1], [0], [0], [1], [0, 0, 1, 1], [], []>, transpose_lhs_hint = false} : vector<400x128xf32>, vector<128x128xf32>, vector<400x128xf32> -> vector<400x128xf32>
    %swap3A = arith.constant 0 : index
    %swap3A_6 = arith.constant 0 : index
    %swap3A_7 = vector.load %arg3[%swap3A, %swap3A_6] : memref<400x128xf32, #tpu.memory_space<vmem>>, vector<400x128xf32>
    tpu.vector_store %arg3[%swap3A, %swap3A_6], %dot_general3A_5 {strides = array<i32>} : memref<400x128xf32, #tpu.memory_space<vmem>>, vector<400x128xf32>,
    return
  }
  func.func @transform_0(%arg0: i32) -> (i32, i32) {
    %c0_i32 = arith.constant 0 : i32
    %c0_i32_0 = arith.constant 0 : i32
    return %arg0, %c0_i32 : i32, i32
  }
  func.func @transform_1(%arg0: i32) -> (i32, i32) {
    %c0_i32 = arith.constant 0 : i32
    %c0_i32_0 = arith.constant 0 : i32
    %c0_i32_1 = arith.constant 0 : i32
    return %c0_i32, %c0_i32_0 : i32, i32
  }
  func.func @transform_2(%arg0: i32) -> (i32, i32) {
    %c0_i32 = arith.constant 0 : i32
    %c0_i32_0 = arith.constant 0 : i32
    return %arg0, %c0_i32 : i32, i32
  }
}

module attributes {stable_mosaic.version = 14 : i64} {
  func.func @_hp_block(%arg0: i32, %arg1: memref<400x128xf32, #tpu.memory_space<vmem>>, %arg2: memref<32x400x1xf32, #tpu.memory_space<vmem>>, %arg3: memref<400x128xf32, #tpu.memory_space<vmem>>) attributes {dimension_semantics = [#tpu.dimension_semantics<arbitrary>], iteration_bounds = array<i64: 25>, scalar_prefetch = 0 : i64, scratch_operands = 0 : i64, tpu.core_type = #tpu.core_type<tc>, window_params = [{transform_indices = @transform_0, window_bounds = array<i64: 400, 128>}, {transform_indices = @transform_1, window_bounds = array<i64: 32, 400, 1>}, {transform_indices = @transform_2, window_bounds = array<i64: 400, 128>}]} {
    %get3A = arith.constant 0 : index
    %get3A_0 = arith.constant 0 : index
    %get3A_1 = vector.load %arg1[%get3A, %get3A_0] : memref<400x128xf32, #tpu.memory_space<vmem>>, vector<400x128xf32>
    %get3A_2 = arith.constant 0 : index
    %get3A_3 = arith.constant 0 : index
    %get3A_4 = arith.constant 0 : index
    %get3A_5 = vector.load %arg2[%get3A_2, %get3A_3, %get3A_4] : memref<32x400x1xf32, #tpu.memory_space<vmem>>, vector<32x400x1xf32>
    %reduce_sum3A = arith.constant dense<0.000000e+00> : vector<400x1xf32>
    %reduce_sum3A_6 = vector.multi_reduction <add>, %get3A_5, %reduce_sum3A [0] : vector<32x400x1xf32> to vector<400x1xf32>
    %add3A = arith.constant 1.000000e+00 : f32
    %add3A_7 = vector.broadcast %add3A : f32 to vector<400x1xf32>
    %add3A_8 = arith.addf %add3A_7, %reduce_sum3A_6 : vector<400x1xf32>
    %gt3A = arith.constant 0.000000e+00 : f32
    %gt3A_9 = vector.broadcast %gt3A : f32 to vector<400x1xf32>
    %gt3A_10 = arith.cmpf ogt, %add3A_8, %gt3A_9 : vector<400x1xf32>
    %max3A = arith.constant 9.99999996E-13 : f32
    %max3A_11 = vector.broadcast %max3A : f32 to vector<400x1xf32>
    %max3A_12 = arith.maximumf %add3A_8, %max3A_11 : vector<400x1xf32>
    %rsqrt3A = math.rsqrt %max3A_12 : vector<400x1xf32>
    %jit3A = arith.constant 0.000000e+00 : f32
    %broadcast_in_dim3A = vector.broadcast %jit3A : f32 to vector<400x1xf32>
    %select_n3A = arith.select %gt3A_10, %rsqrt3A, %broadcast_in_dim3A : vector<400x1xi1>, vector<400x1xf32>
    %mul3A = vector.broadcast %select_n3A : vector<400x1xf32> to vector<400x128xf32>
    %mul3A_13 = arith.mulf %get3A_1, %mul3A : vector<400x128xf32>
    %swap3A = arith.constant 0 : index
    %swap3A_14 = arith.constant 0 : index
    %swap3A_15 = vector.load %arg3[%swap3A, %swap3A_14] : memref<400x128xf32, #tpu.memory_space<vmem>>, vector<400x128xf32>
    tpu.vector_store %arg3[%swap3A, %swap3A_14], %mul3A_13 {strides = array<i32>} : memref<400x128xf32, #tpu.memory_space<vmem>>, vector<400x128xf32>,
    return
  }
  func.func @transform_0(%arg0: i32) -> (i32, i32) {
    %c0_i32 = arith.constant 0 : i32
    %c0_i32_0 = arith.constant 0 : i32
    return %arg0, %c0_i32 : i32, i32
  }
  func.func @transform_1(%arg0: i32) -> (i32, i32, i32) {
    %c0_i32 = arith.constant 0 : i32
    %c0_i32_0 = arith.constant 0 : i32
    %c0_i32_1 = arith.constant 0 : i32
    return %c0_i32, %arg0, %c0_i32_0 : i32, i32, i32
  }
  func.func @transform_2(%arg0: i32) -> (i32, i32) {
    %c0_i32 = arith.constant 0 : i32
    %c0_i32_0 = arith.constant 0 : i32
    return %arg0, %c0_i32 : i32, i32
  }
}

module attributes {stable_mosaic.version = 14 : i64} {
  func.func @_out_block(%arg0: i32, %arg1: memref<2x400x128xf32, #tpu.memory_space<vmem>>, %arg2: memref<400x128xf32, #tpu.memory_space<vmem>>, %arg3: memref<32x400x1xf32, #tpu.memory_space<vmem>>, %arg4: memref<1x128xf32, #tpu.memory_space<vmem>>, %arg5: memref<128x40xf32, #tpu.memory_space<vmem>>, %arg6: memref<1x40xf32, #tpu.memory_space<vmem>>, %arg7: memref<400x40xf32, #tpu.memory_space<vmem>>) attributes {dimension_semantics = [#tpu.dimension_semantics<arbitrary>], iteration_bounds = array<i64: 25>, scalar_prefetch = 0 : i64, scratch_operands = 0 : i64, tpu.core_type = #tpu.core_type<tc>, window_params = [{transform_indices = @transform_0, window_bounds = array<i64: 2, 400, 128>}, {transform_indices = @transform_1, window_bounds = array<i64: 400, 128>}, {transform_indices = @transform_2, window_bounds = array<i64: 32, 400, 1>}, {pipeline_mode = #tpu.pipeline_mode<synchronous>, transform_indices = @transform_3, window_bounds = array<i64: 1, 128>}, {pipeline_mode = #tpu.pipeline_mode<synchronous>, transform_indices = @transform_4, window_bounds = array<i64: 128, 40>}, {pipeline_mode = #tpu.pipeline_mode<synchronous>, transform_indices = @transform_5, window_bounds = array<i64: 1, 40>}, {transform_indices = @transform_6, window_bounds = array<i64: 400, 40>}]} {
    %get3A = arith.constant 0 : index
    %get3A_0 = arith.constant 0 : index
    %get3A_1 = arith.constant 0 : index
    %get3A_2 = vector.load %arg3[%get3A, %get3A_0, %get3A_1] : memref<32x400x1xf32, #tpu.memory_space<vmem>>, vector<32x400x1xf32>
    %reduce_sum3A = arith.constant dense<0.000000e+00> : vector<400x1xf32>
    %reduce_sum3A_3 = vector.multi_reduction <add>, %get3A_2, %reduce_sum3A [0] : vector<32x400x1xf32> to vector<400x1xf32>
    %add3A = arith.constant 1.000000e+00 : f32
    %add3A_4 = vector.broadcast %add3A : f32 to vector<400x1xf32>
    %add3A_5 = arith.addf %add3A_4, %reduce_sum3A_3 : vector<400x1xf32>
    %gt3A = arith.constant 0.000000e+00 : f32
    %gt3A_6 = vector.broadcast %gt3A : f32 to vector<400x1xf32>
    %gt3A_7 = arith.cmpf ogt, %add3A_5, %gt3A_6 : vector<400x1xf32>
    %max3A = arith.constant 9.99999996E-13 : f32
    %max3A_8 = vector.broadcast %max3A : f32 to vector<400x1xf32>
    %max3A_9 = arith.maximumf %add3A_5, %max3A_8 : vector<400x1xf32>
    %rsqrt3A = math.rsqrt %max3A_9 : vector<400x1xf32>
    %jit3A = arith.constant 0.000000e+00 : f32
    %broadcast_in_dim3A = vector.broadcast %jit3A : f32 to vector<400x1xf32>
    %select_n3A = arith.select %gt3A_7, %rsqrt3A, %broadcast_in_dim3A : vector<400x1xi1>, vector<400x1xf32>
    %get3A_10 = arith.constant 0 : index
    %get3A_11 = arith.constant 0 : index
    %get3A_12 = arith.constant 0 : index
    %get3A_13 = vector.load %arg1[%get3A_10, %get3A_11, %get3A_12] : memref<2x400x128xf32, #tpu.memory_space<vmem>>, vector<1x400x128xf32>
    %get3A_14 = vector.shape_cast %get3A_13 : vector<1x400x128xf32> to vector<400x128xf32>
    %get3A_15 = arith.constant 1 : index
    %get3A_16 = arith.constant 0 : index
    %get3A_17 = arith.constant 0 : index
    %get3A_18 = vector.load %arg1[%get3A_15, %get3A_16, %get3A_17] : memref<2x400x128xf32, #tpu.memory_space<vmem>>, vector<1x400x128xf32>
    %get3A_19 = vector.shape_cast %get3A_18 : vector<1x400x128xf32> to vector<400x128xf32>
    %add3A_20 = arith.addf %get3A_14, %get3A_19 : vector<400x128xf32>
    %get3A_21 = arith.constant 0 : index
    %get3A_22 = arith.constant 0 : index
    %get3A_23 = vector.load %arg2[%get3A_21, %get3A_22] : memref<400x128xf32, #tpu.memory_space<vmem>>, vector<400x128xf32>
    %add3A_24 = arith.addf %add3A_20, %get3A_23 : vector<400x128xf32>
    %mul3A = vector.broadcast %select_n3A : vector<400x1xf32> to vector<400x128xf32>
    %mul3A_25 = arith.mulf %mul3A, %add3A_24 : vector<400x128xf32>
    %get3A_26 = arith.constant 0 : index
    %get3A_27 = arith.constant 0 : index
    %get3A_28 = vector.load %arg4[%get3A_26, %get3A_27] : memref<1x128xf32, #tpu.memory_space<vmem>>, vector<1x128xf32>
    %add3A_29 = vector.broadcast %get3A_28 : vector<1x128xf32> to vector<400x128xf32>
    %add3A_30 = arith.addf %mul3A_25, %add3A_29 : vector<400x128xf32>
    %max3A_31 = arith.constant 0.000000e+00 : f32
    %max3A_32 = vector.broadcast %max3A_31 : f32 to vector<400x128xf32>
    %max3A_33 = arith.maximumf %add3A_30, %max3A_32 : vector<400x128xf32>
    %get3A_34 = arith.constant 0 : index
    %get3A_35 = arith.constant 0 : index
    %get3A_36 = vector.load %arg5[%get3A_34, %get3A_35] : memref<128x40xf32, #tpu.memory_space<vmem>>, vector<128x40xf32>
    %dot_general3A = arith.constant dense<0.000000e+00> : vector<400x40xf32>
    %dot_general3A_37 = tpu.matmul %max3A_33, %get3A_36, %dot_general3A {dimension_numbers = #tpu.dot_dimension_numbers<[1], [0], [0], [1], [0, 0, 1, 1], [], []>, transpose_lhs_hint = false} : vector<400x128xf32>, vector<128x40xf32>, vector<400x40xf32> -> vector<400x40xf32>
    %get3A_38 = arith.constant 0 : index
    %get3A_39 = arith.constant 0 : index
    %get3A_40 = vector.load %arg6[%get3A_38, %get3A_39] : memref<1x40xf32, #tpu.memory_space<vmem>>, vector<1x40xf32>
    %add3A_41 = vector.broadcast %get3A_40 : vector<1x40xf32> to vector<400x40xf32>
    %add3A_42 = arith.addf %dot_general3A_37, %add3A_41 : vector<400x40xf32>
    %swap3A = arith.constant 0 : index
    %swap3A_43 = arith.constant 0 : index
    %swap3A_44 = vector.load %arg7[%swap3A, %swap3A_43] : memref<400x40xf32, #tpu.memory_space<vmem>>, vector<400x40xf32>
    tpu.vector_store %arg7[%swap3A, %swap3A_43], %add3A_42 {strides = array<i32>} : memref<400x40xf32, #tpu.memory_space<vmem>>, vector<400x40xf32>,
    return
  }
  func.func @transform_0(%arg0: i32) -> (i32, i32, i32) {
    %c0_i32 = arith.constant 0 : i32
    %c0_i32_0 = arith.constant 0 : i32
    %c0_i32_1 = arith.constant 0 : i32
    return %c0_i32, %arg0, %c0_i32_0 : i32, i32, i32
  }
  func.func @transform_1(%arg0: i32) -> (i32, i32) {
    %c0_i32 = arith.constant 0 : i32
    %c0_i32_0 = arith.constant 0 : i32
    return %arg0, %c0_i32 : i32, i32
  }
  func.func @transform_2(%arg0: i32) -> (i32, i32, i32) {
    %c0_i32 = arith.constant 0 : i32
    %c0_i32_0 = arith.constant 0 : i32
    %c0_i32_1 = arith.constant 0 : i32
    return %c0_i32, %arg0, %c0_i32_0 : i32, i32, i32
  }
  func.func @transform_3(%arg0: i32) -> (i32, i32) {
    %c0_i32 = arith.constant 0 : i32
    %c0_i32_0 = arith.constant 0 : i32
    %c0_i32_1 = arith.constant 0 : i32
    return %c0_i32, %c0_i32_0 : i32, i32
  }
  func.func @transform_4(%arg0: i32) -> (i32, i32) {
    %c0_i32 = arith.constant 0 : i32
    %c0_i32_0 = arith.constant 0 : i32
    %c0_i32_1 = arith.constant 0 : i32
    return %c0_i32, %c0_i32_0 : i32, i32
  }
  func.func @transform_5(%arg0: i32) -> (i32, i32) {
    %c0_i32 = arith.constant 0 : i32
    %c0_i32_0 = arith.constant 0 : i32
    %c0_i32_1 = arith.constant 0 : i32
    return %c0_i32, %c0_i32_0 : i32, i32
  }
  func.func @transform_6(%arg0: i32) -> (i32, i32) {
    %c0_i32 = arith.constant 0 : i32
    %c0_i32_0 = arith.constant 0 : i32
    return %arg0, %c0_i32 : i32, i32
  }
}

</mosaic_0001>

<sc_bundles>
// kernel: kernel.10.cloned.1.call-start
scs
__scs_entry_jumppad:
0x0: {  	(pc) =	sbr.rel $0x88, $3  }
0x1: {  	(tag) =	ssettag $0x0;
	lr =	simm.s32 $0x1  }
0x2: {  	[smem:$0x3F9A] =	sst lr;
	_ =	strace $0xD0000000  }
0x3: {  	_ = 	snop  }
0x4: {  	_ = 	snop  }
0x5: {  	_ = 	snop  }
0x6: {  	_ = 	snop  }
0x7: {  	_ = 	snop  }
__scs_overlays_trampoline_lowered:
0x8: {  	[smem:$0x3FA9] =	sst s0  }
0x9: {  	[smem:$0x3FAA] =	sst s1  }
0xa: {  	[smem:$0x3FAB] =	sst s2  }
0xb: {  	[smem:$0x3FAC] =	sst s3  }
0xc: {  	[smem:$0x3FAD] =	sst s4  }
0xd: {  	[smem:$0x3FAE] =	sst s5  }
0xe: {  	[smem:$0x3FAF] =	sst s6  }
0xf: {  	[smem:$0x3FB0] =	sst s7  }
0x10: {  	[smem:$0x3FB1] =	sst s8  }
0x11: {  	[smem:$0x3FB2] =	sst s9;
	s0 =	simm.s32 @!p0 $0x0  }
0x12: {  	s1 =	sld [smem:$0x3F98];
	s0 =	simm.s32 @p0 $0x1  }
0x13: {  	[smem:$0x3FB3] =	sst s0;
	s0 =	simm.s32 @!p1 $0x0  }
0x14: {  	s2 =	sld [smem:$0x3F97];
	s0 =	simm.s32 @p1 $0x1  }
0x15: {  	[smem:$0x3FB4] =	sst s0;
	s0 =	simm.s32 @!p2 $0x0  }
0x16: {  	s3 =	sld [smem:$0x3FDB];
	s0 =	simm.s32 @p2 $0x1  }
0x17: {  	s4 =	simm.s32 $0x1BF5;
	[smem:$0x3FB6] =	sst s0  }
0x18: {  	s0 =	sld [smem:$0x3F99];
	_ =	swait.ge [sflag:s4], $0x0  }
0x19: {  	s7 =	sld [smem:$0x3F9A]  }
0x1a: {  	s8 =	sadd.s32 $0xFFFFE003, lr  }
0x1b: {  	s9 =	sadd.s32 $0xFFFFFEF7, lr;
	s5 =	simm.s32 $0xFFFFFFFF;
	p2 =	slt.u32 s8, $0xFFFFF086  }
0x1c: {  	p1 =	slt.u32 s9, $0xF7A;
	s5 =	simm.s32 @!p2 $0x0  }
0x1d: {  	s5 =	simm.s32 @p1 $0x1;
	p0 =	seq.s32 s7, s2  }
0x1e: {  	s7 =	smul.u32 @!p0 $0xF7A, s2;
	p2 =	seq.s32 @!p0 s5, $0x0  }
0x1f: {  	s9 =	smul.u32 $0xF7A, s1;
	s8 =	simm.s32 @!p0 $0x1BF5;
	p2 =	por !p2, p0  }
0x20: {  	[sflag:s8] =	ssyncset.s32 @!p0 $0xFFFFF086;
	s6 =	sadd.s32 @!p0 s3, s7;
	s7 =	simm.s32 @!p0 $0x108  }
0x21: {  	s3 =	sadd.s32 s3, s9;
	s6 =	sadd.s32 @!p0 $0x88, s6;
	s7 =	simm.s32 @p2 $0x1082  }
0x22: {  	[simem:s7], [sflag:s8] =	dma.local @!p0 [hbm:s6], $0xF7A  }
0x23: {  	s9 =	sor.u32 $0xD0000000, s2;
	s6 =	simm.s32 $0x108;
	_ =	swait.ge @!p0 [sflag:s8], $0x0  }
0x24: {  	s3 =	sadd.s32 $0x88, s3;
	s6 =	simm.s32 @!p1 $0x1082;
	[sflag:s4] =	ssyncset.s32 $0xFFFFF086  }
0x25: {  	[simem:s6], [sflag:s4] =	dma.local [hbm:s3], $0xF7A  }
0x26: {  	[smem:$0x3F9A] =	sst s1;
	(tag) =	ssettag s2;
	_ =	strace s9  }
0x27: {  	s1 =	sld [smem:$0x3FAA]  }
0x28: {  	s2 =	sld [smem:$0x3FAB]  }
0x29: {  	s4 =	sld [smem:$0x3FAD]  }
0x2a: {  	p0 =	seq.s32 s5, $0x0;
	s5 =	sld [smem:$0x3FAE]  }
0x2b: {  	s6 =	sld [smem:$0x3FAF]  }
0x2c: {  	s7 =	sld [smem:$0x3FB0]  }
0x2d: {  	s3 =	simm.s32 $0x108;
	s8 =	sld [smem:$0x3FB1]  }
0x2e: {  	s3 =	simm.s32 @!p0 $0x1082;
	s9 =	sld [smem:$0x3FB2]  }
0x2f: {  	lr =	sadd.s32 s0, s3;
	s0 =	sld [smem:$0x3FA9]  }
0x30: {  	s3 =	sld [smem:$0x3FAC]  }
0x31: {  	[smem:$0x3FB5] =	sst s10  }
0x32: {  	s10 =	sld [smem:$0x3FB3];
	_ =	sdelay $0x3  }
0x33: {  	p0 =	seq.s32 s10, $0x1;
	s10 =	sld [smem:$0x3FB5];
	_ =	sdelay $0x3  }
0x34: {  	[smem:$0x3FB5] =	sst s10  }
0x35: {  	s10 =	sld [smem:$0x3FB4];
	_ =	sdelay $0x3  }
0x36: {  	p1 =	seq.s32 s10, $0x1;
	s10 =	sld [smem:$0x3FB5];
	_ =	sdelay $0x3  }
0x37: {  	[smem:$0x3FB5] =	sst s10  }
0x38: {  	s10 =	sld [smem:$0x3FB6]  }
0x39: {  	_ = 	snop;
	(pc) =	sbr.ind lr, $3  }
0x3a: {  	_ = 	snop  }
0x3b: {  	_ = 	snop  }
0x3c: {  	p2 =	seq.s32 s10, $0x1;
	s10 =	sld [smem:$0x3FB5]  }
0x3d: {  	_ =	shalt  }
0x3e: {  	_ =	shalt  }
0x3f: {  	_ =	shalt  }
0x40: {  	_ =	shalt  }
0x41: {  	_ =	shalt  }
0x42: {  	_ =	shalt  }
0x43: {  	_ =	shalt  }
0x44: {  	_ =	shalt  }
0x45: {  	_ =	shalt  }
0x46: {  	_ =	shalt  }
0x47: {  	_ =	shalt  }
0x48: {  	_ =	shalt  }
0x49: {  	_ =	shalt  }
0x4a: {  	_ =	shalt  }
0x4b: {  	_ =	shalt  }
0x4c: {  	_ =	shalt  }
0x4d: {  	_ =	shalt  }
0x4e: {  	_ =	shalt  }
0x4f: {  	_ =	shalt  }
0x50: {  	_ =	shalt  }
0x51: {  	_ =	shalt  }
0x52: {  	_ =	shalt  }
0x53: {  	_ =	shalt  }
0x54: {  	_ =	shalt  }
0x55: {  	_ =	shalt  }
0x56: {  	_ =	shalt  }
0x57: {  	_ =	shalt  }
0x58: {  	_ =	shalt  }
0x59: {  	_ =	shalt  }
0x5a: {  	_ =	shalt  }
0x5b: {  	_ =	shalt  }
0x5c: {  	_ =	shalt  }
0x5d: {  	_ =	shalt  }
0x5e: {  	_ =	shalt  }
0x5f: {  	_ =	shalt  }
0x60: {  	_ =	shalt  }
0x61: {  	_ =	shalt  }
0x62: {  	_ =	shalt  }
0x63: {  	_ =	shalt  }
0x64: {  	_ =	shalt  }
0x65: {  	_ =	shalt  }
0x66: {  	_ =	shalt  }
0x67: {  	_ =	shalt  }
0x68: {  	_ =	shalt  }
0x69: {  	_ =	shalt  }
0x6a: {  	_ =	shalt  }
0x6b: {  	_ =	shalt  }
0x6c: {  	_ =	shalt  }
0x6d: {  	_ =	shalt  }
0x6e: {  	_ =	shalt  }
0x6f: {  	_ =	shalt  }
0x70: {  	_ =	shalt  }
0x71: {  	_ =	shalt  }
0x72: {  	_ =	shalt  }
0x73: {  	_ =	shalt  }
0x74: {  	_ =	shalt  }
0x75: {  	_ =	shalt  }
0x76: {  	_ =	shalt  }
0x77: {  	_ =	shalt  }
0x78: {  	_ =	shalt  }
0x79: {  	_ =	shalt  }
0x7a: {  	_ =	shalt  }
0x7b: {  	_ =	shalt  }
0x7c: {  	_ =	shalt  }
0x7d: {  	_ =	shalt  }
0x7e: {  	_ =	shalt  }
0x7f: {  	_ =	shalt  }
0x80: {  	_ =	shalt  }
0x81: {  	_ =	shalt  }
0x82: {  	_ =	shalt  }
0x83: {  	_ =	shalt  }
0x84: {  	_ =	shalt  }
0x85: {  	_ =	shalt  }
0x86: {  	_ =	shalt  }
0x87: {  	_ =	shalt  }
.Lfunc_end0:
.L_simem_size_0:
called_computation.1_lowered:
.L_overlay_start_0:
0x88: {  	s2 =	sld [smem:$0x3FD9]  }
0x89: {  	s3 =	sld [smem:$0x3FFE];
	_ =	sdelay $0x1  }
0x8a: {  	s1 =	srdreg.scid  }
0x8b: {  	s0 =	sand.u32 $0x1, s1  }
0x8c: {  	s17 =	sshll.u32 s0, $0xA;
	s2 =	sadd.s32 s3, s2  }
0x8d: {  	s2 =	sadd.s32 s2, s17  }
0x8e: {  	[smem:$0x3FC1] =	sst s2  }
0x8f: {  	_ = 	snop  }
0x90: {  	s2 =	sld [smem:$0x3FD0];
	(tm) =	ssettm $0x1  }
0x91: {  	s18 =	sld [smem:$0x3FFB];
	_ =	sdelay $0x3  }
0x92: {  	_ =	strace s18  }
0x93: {  	s3 =	sld [smem:$0x3FFC];
	_ =	sdelay $0x3  }
0x94: {  	_ =	strace s3  }
0x95: {  	s3 =	sld [smem:$0x3FFD];
	_ =	sdelay $0x3  }
0x96: {  	_ =	strace s3  }
0x97: {  	_ =	strace $0x8FFFFFFF  }
0x98: {  	s19 =	sld [smem:$0x3FDB];
	_ =	sdelay $0x1  }
0x99: {  	s4 =	simm.s32 $_scs_section_size  }
0x9a: {  	s5 =	simm.s32 $_size__tile_overlayer_lowered;
	s6 =	simm.s32 $_tile_overlayer_lowered  }
0x9b: {  	s22 =	simm.s32 $0x1BFF;
	s21 =	sshll.u32 s6, $0x1;
	s3 =	sadd.s32 s4, s19  }
0x9c: {  	s7 =	simm.s32 $0x0;
	s20 =	sshll.u32 s5, $0x1;
	s5 =	sadd.s32 s21, s3  }
0x9d: {  	[timem:s7], [sflag:s22] =	dma.local [hbm:s5], s20  }
0x9e: {  	_ =	swait.ge [sflag:s22], s20  }
0x9f: {  	s4 =	ssub.s32 $0x0, s20;
	[sflag:s22] =	ssyncset.done $0x0  }
0xa0: {  	[sflag:s22] =	ssyncadd.s32 s4;
	_ =	sdelay $0x1  }
0xa1: {  	s23 =	simm.s32 $0x1B8B  }
0xa2: {  	_ =	swait.ge [sflag:s23], $0x1  }
0xa3: {  	[sflag:s23] =	ssyncset.done $0x0  }
0xa4: {  	s25 =	simm.s32 $0x1B8E;
	s24 =	sld [smem:$0x3FFE];
	[sflag:s23] =	ssyncadd.s32 $0xFFFFFFFF  }
0xa5: {  	s26 =	simm.s32 $execute0_lowered;
	[smem:$0x3FD2] =	sst s25  }
0xa6: {  	s5 =	sshll.u32 s26, $0x1;
	_ =	strace $0x80000049;
	[dreg:$0x1] =	wrdreg $0xFFFFFFFF  }
0xa7: {  	s28 =	simm.s32 $_size_execute0_lowered;
	s3 =	sadd.s32 s3, s5;
	[dreg:$0x0] =	wrdreg $0x0  }
0xa8: {  	s5 =	sshll.u32 s28, $0x1;
	[dreg:$0x2] =	wrdreg s3  }
0xa9: {  	[dreg:$0x3] =	wrdreg s5  }
0xaa: {  	[dreg:$0x4] =	wrdreg $0xC0  }
0xab: {  	_ =	task [dreg:s7], $0x5FFFF  }
0xac: {  	[dreg:$0x1] =	wrdreg $0xFFFFFFFF  }
0xad: {  	[dreg:$0x0] =	wrdreg $0x60  }
0xae: {  	[dreg:$0x2] =	wrdreg s24  }
0xaf: {  	[dreg:$0x3] =	wrdreg s2  }
0xb0: {  	[dreg:$0x4] =	wrdreg $0xB8000  }
0xb1: {  	[dreg:$0x5] =	wrdreg $0x9  }
0xb2: {  	_ =	task.clear_ibuf [dreg:s7], $0x6FFFF;
	_ =	strace $0x90000049  }
0xb3: {  	s29 =	simm.s32 $0x9;
	_ =	strace $0x8000004B  }
0xb4: {  	_ =	swait.ge [sflag:s29], $0x1  }
0xb5: {  	[sflag:s29] =	ssyncadd.s32 $0xFFFFFFFF  }
0xb6: {  	_ =	strace $0x9000004B  }
0xb7: {  	_ =	sfence  }
0xb8: {  	s30 =	sld [smem:$0x0];
	_ =	sdelay $0x2  }
0xb9: {  	s31 =	sshll.u32 s1, $0xD;
	s1 =	sshrl.u32 s1, $0x2  }
0xba: {  	s3 =	sand.u32 $0x4000, s31;
	s1 =	sadd.s32 s1, s30  }
0xbb: {  	s0 =	sor.u32 s3, s0;
	s1 =	sshll.u32 s1, $0x11  }
0xbc: {  	s0 =	sor.u32 s1, s0  }
0xbd: {  	s0 =	sadd.s32 $0x8F2B, s0  }
0xbe: {  	[sflag:s0] =	ssyncadd.remote.s32 $0x1  }
0xbf: {  	_ =	sfence.sel $0xFFFF  }
0xc0: {  	[dreg:$0x0] =	wrdreg $0xFFFFFFFF;
	(pc) =	sbr.abs _section_cstart, $3  }
0xc1: {  	[dreg:$0x1] =	wrdreg $0xFFFFFFFF  }
0xc2: {  	_ =	task.clear_ibuf [dreg:s7], $0x2FFFF;
	_ =	strace $0x9FFFFFFF  }
0xc3: {  	(tm) =	ssettm $0x7FFFFFFF  }
tec
execute0_lowered:
.L_overlay_start_1:
0x0: {  	(tag) =	ssettag $0x1  }
0x1: {  	s5 =	rddreg [dreg:$0x0]  }
0x2: {  	s6 =	rddreg [dreg:$0x1]  }
0x3: {  	s1 =	rddreg [dreg:$0x2]  }
0x4: {  	s2 =	srdreg.scid;
	s0 =	rddreg [dreg:$0x3]  }
0x5: {  	s3 =	simm.s32 $0x0;
	s15 =	simm.s32 $0x2;
	s16 =	simm.s32 $0x2800  }
0x6: {  	s17 =	simm.s32 $0x5000;
	s18 =	simm.s32 $0x7800;
	s19 =	simm.s32 $0x80  }
0x7: {  	s20 =	simm.s32 $0x1;
	s7 =	sand.u32 $0x1, s2;
	s2 =	stileid.u32  }
0x8: {  	s22 =	simm.s32 $0x0;
	[smem:$0x7FF] =	sst s3;
	s8 =	smul.u32 $0x13C000, s7  }
0x9: {  	s4 =	sshll.u32 s2, $0x1;
	s9 =	smul.u32 $0x13C00, s2;
	_ =	strace $0x8000004A  }
0xa: {  	s29 =	smul.u32 $0x4F000, s2;
	s21 =	sshll.u32 s2, $0x6;
	s10 =	sor.u32 s7, s4  }
0xb: {  	s4 =	sadd.s32 $0xB800, s5;
	s7 =	ssub.s32 $0x2, s7;
	s21 =	sor.u32 $0x1C02, s21  }
0xc: {  	s10 =	smul.u32 $0x500, s10;
	s8 =	sadd.s32 s9, s8;
	s30 =	sshrl.u32 s7, $0x1  }
0xd: {  	s31 =	sshrl.u32 s29, $0x2;
	s8 =	sshrl.u32 s8, $0x3;
	s14 =	ssub.s32 s7, s30  }
0xe: {  	s11 =	sadd.s32 s10, s5;
	s13 =	sadd.s32 s8, s5;
	s6 =	sadd.s32 s6, s10  }
0xf: {  	s8 =	sadd.s32 s31, s1;
	s14 =	smax.u32 s14, $0x1;
	s5 =	sadd.s32 $0x5B800, s11  }
0x10: {  	s7 =	sadd.s32 $0x1800, s11;
	s9 =	sadd.s32 $0x4000, s8;
	s10 =	sadd.s32 $0x8000, s8  }
0x11: {  	v0 =	vimm.f32 $0.0e+00;
	s11 =	sadd.s32 $0xC000, s8;
	s12 =	sadd.s32 $0x10000, s8;
	s13 =	sadd.s32 $0x547800, s13  }
.LBB2_1:
0x12: {  	[tilespmem:s3], [sflag:$0x2] =	stream.linear.gather [hbm4b:s5+s3], $0x2780, $0x38;
	[tilespmem:$0x1F400] =	vst v63  }
0x13: {  	_ =	swait.ge [sflag:s15], $0x2780  }
0x14: {  	[sflag:s15] =	ssyncset.done $0x0  }
0x15: {  	[sflag:s15] =	ssyncadd.s32 $0xFFFFD880  }
0x16: {  	[tilespmem:s16], [sflag:$0x2] =	stream.linear.gather [hbm4b:s6+s3], $0x2780, $0x38;
	[tilespmem:$0x1F400] =	vst v63  }
0x17: {  	_ =	swait.ge [sflag:s15], $0x2780  }
0x18: {  	[sflag:s15] =	ssyncset.done $0x0  }
0x19: {  	[sflag:s15] =	ssyncadd.s32 $0xFFFFD880  }
0x1a: {  	[tilespmem:s17], [sflag:$0x2] =	stream.linear.gather [hbm4b:s7+s3], $0x2780, $0x38;
	[tilespmem:$0x1F400] =	vst v63  }
0x1b: {  	_ =	swait.ge [sflag:s15], $0x2780  }
0x1c: {  	[sflag:s15] =	ssyncset.done $0x0  }
0x1d: {  	s23 =	simm.s32 $0x0;
	s24 =	simm.s32 $0x200;
	[sflag:s15] =	ssyncadd.s32 $0xFFFFD880  }
.LBB2_2:
0x1e: {  	p0 =	sne.s32 s24, $0xFE00;
	[tilespmem:s23+$0x7870] =	vst v0  }
0x1f: {  	[tilespmem:s23+$0x7800] =	vst v0  }
0x20: {  	[tilespmem:s23+$0x7810] =	vst v0  }
.Ltmp0:
0x21: {  	[tilespmem:s23+$0x7820] =	vst v0;
	(pc) =	sbr.rel @p0 .LBB2_2-.Ltmp0, $4  }
0x22: {  	[tilespmem:s23+$0x7830] =	vst v0  }
0x23: {  	[tilespmem:s23+$0x7840] =	vst v0  }
0x24: {  	[tilespmem:s23+$0x7850] =	vst v0  }
0x25: {  	[tilespmem:s23+$0x7860] =	vst v0;
	s23 =	sshra.s32 s24, $0x2;
	s24 =	sadd.s32 $0x200, s24  }
0x26: {  	[tilespmem:s23+$0x7870] =	vst v0  }
0x27: {  	[tilespmem:s23+$0x7800] =	vst v0  }
0x28: {  	[tilespmem:s23+$0x7810] =	vst v0  }
0x29: {  	[tilespmem:s23+$0x7820] =	vst v0  }
0x2a: {  	[tilespmem:s23+$0x7830] =	vst v0  }
0x2b: {  	[tilespmem:s23+$0x7840] =	vst v0  }
0x2c: {  	[tilespmem:s23+$0x7850] =	vst v0  }
0x2d: {  	[tilespmem:s23+$0x7860] =	vst v0  }
0x2e: {  	[spmem:s8] =	stream.linear.scatter [tilespmem:s18], [sflag:$0x2], $0x4000, $0x38;
	[tilespmem:$0x1F400] =	vst v63  }
0x2f: {  	_ =	swait.ge [sflag:s15], $0x4000  }
0x30: {  	[sflag:s15] =	ssyncset.done $0x0  }
0x31: {  	[sflag:s15] =	ssyncadd.s32 $0xFFFFC000  }
0x32: {  	[spmem:s9] =	stream.linear.scatter [tilespmem:s18], [sflag:$0x2], $0x4000, $0x38;
	[tilespmem:$0x1F400] =	vst v63  }
0x33: {  	_ =	swait.ge [sflag:s15], $0x4000  }
0x34: {  	[sflag:s15] =	ssyncset.done $0x0  }
0x35: {  	[sflag:s15] =	ssyncadd.s32 $0xFFFFC000  }
0x36: {  	[spmem:s10] =	stream.linear.scatter [tilespmem:s18], [sflag:$0x2], $0x4000, $0x38;
	[tilespmem:$0x1F400] =	vst v63  }
0x37: {  	_ =	swait.ge [sflag:s15], $0x4000  }
0x38: {  	[sflag:s15] =	ssyncset.done $0x0  }
0x39: {  	[sflag:s15] =	ssyncadd.s32 $0xFFFFC000  }
0x3a: {  	[spmem:s11] =	stream.linear.scatter [tilespmem:s18], [sflag:$0x2], $0x4000, $0x38;
	[tilespmem:$0x1F400] =	vst v63  }
0x3b: {  	_ =	swait.ge [sflag:s15], $0x4000  }
0x3c: {  	[sflag:s15] =	ssyncset.done $0x0  }
0x3d: {  	[sflag:s15] =	ssyncadd.s32 $0xFFFFC000  }
0x3e: {  	[spmem:s12] =	stream.linear.scatter [tilespmem:s18], [sflag:$0x2], $0x3C00, $0x38;
	[tilespmem:$0x1F400] =	vst v63  }
0x3f: {  	_ =	swait.ge [sflag:s15], $0x3C00  }
0x40: {  	[sflag:s15] =	ssyncset.done $0x0  }
0x41: {  	[sflag:s15] =	ssyncadd.s32 $0xFFFFC400  }
0x42: {  	s23 =	simm.s32 $0x0;
	s24 =	simm.s32 $0x0;
	[bflag:$0x0] =	sbarrier.arrive $0xFFFF  }
.LBB2_4:
0x43: {  	s25 =	sshll.u32 s24, $0x7  }
0x44: {  	[tilespmem:s18], [sflag:$0x1] =	stream.indirect.gather [hbm4b:s4+s19], $0x80, s25, s19, $0xb8;
	[tilespmem:$0x1F400] =	vst v63  }
0x45: {  	_ =	swait.ge [sflag:s20], $0x4000  }
0x46: {  	v1 =	vmov s23;
	[sflag:s20] =	ssyncset.done $0x0  }
0x47: {  	s26 =	simm.s32 $0x7840;
	[sflag:s20] =	ssyncadd.s32 $0xFFFFC000  }
0x48: {  	v5 =	vld [tilespmem:s26+$0x30]  }
0x49: {  	v8 =	vld [tilespmem:s26+$0x10]  }
0x4a: {  	s28 =	sadd.s32 $0x5000, s25;
	v6 =	vld [tilespmem:s26+$0xFFFFFFC0]  }
0x4b: {  	v2 =	vld.idx.msk [tilespmem:v1+s28+$0x0], $0xffff  }
0x4c: {  	v10 =	vld [tilespmem:s26+$0xFFFFFFE0]  }
0x4d: {  	v1 =	vld [tilespmem:s26+$0xFFFFFFF0]  }
0x4e: {  	v3 =	vld [tilespmem:s26+$0x20]  }
0x4f: {  	v4 =	vld [tilespmem:s26+$0xFFFFFFD0]  }
0x50: {  	v9 =	vmul.f32 v5, v2;
	v5 =	vld [tilespmem:s26+$0x0]  }
0x51: {  	v7 =	vmul.f32 v6, v2  }
0x52: {  	s29 =	simm.s32 $0x1;
	s30 =	simm.s32 $0x7840;
	v6 =	vmul.f32 v10, v2;
	v8 =	vmul.f32 v8, v2  }
.LBB2_5:
0x53: {  	p0 =	sne.s32 s29, $0x7F  }
0x54: {  	v4 =	vmul.f32 v4, v2;
	v3 =	vmul.f32 v3, v2;
	[tilespmem:s26+$0x30] =	vst v9;
	s30 =	sadd.s32 $0x80, s30;
	s31 =	smov.u32 s29;
	s29 =	sadd.s32 $0x1, s29  }
0x55: {  	[tilespmem:s26+$0xFFFFFFC0] =	vst v7;
	v7 =	vmul.f32 v1, v2;
	v2 =	vmul.f32 v5, v2  }
0x56: {  	[tilespmem:s26+$0x10] =	vst v8  }
0x57: {  	v5 =	vmov s31;
	[tilespmem:s26+$0xFFFFFFE0] =	vst v6  }
0x58: {  	v1 =	vld [tilespmem:s30+$0xFFFFFFF0];
	[tilespmem:s26+$0xFFFFFFF0] =	vst v7  }
0x59: {  	v6 =	vld [tilespmem:s30+$0x30];
	[tilespmem:s26+$0x0] =	vst v2  }
0x5a: {  	v8 =	vld [tilespmem:s30+$0x10];
	[tilespmem:s26+$0x20] =	vst v3  }
0x5b: {  	v7 =	vld [tilespmem:s30+$0xFFFFFFC0];
	[tilespmem:s26+$0xFFFFFFD0] =	vst v4;
	s26 =	smov.u32 s30  }
0x5c: {  	v2 =	vld.idx.msk [tilespmem:v5+s28+$0x0], $0xffff  }
0x5d: {  	v10 =	vld [tilespmem:s30+$0xFFFFFFE0]  }
0x5e: {  	v3 =	vld [tilespmem:s30+$0x20]  }
.Ltmp1:
0x5f: {  	v4 =	vld [tilespmem:s30+$0xFFFFFFD0];
	(pc) =	sbr.rel @p0 .LBB2_5-.Ltmp1, $3  }
0x60: {  	v5 =	vld [tilespmem:s30+$0x0];
	_ =	sdelay $0x1  }
0x61: {  	v7 =	vmul.f32 v7, v2;
	v9 =	vmul.f32 v6, v2  }
0x62: {  	v8 =	vmul.f32 v8, v2;
	v6 =	vmul.f32 v10, v2  }
0x63: {  	[tilespmem:s26+$0x30] =	vst v9  }
0x64: {  	[tilespmem:s26+$0xFFFFFFC0] =	vst v7  }
0x65: {  	v1 =	vmul.f32 v1, v2;
	[tilespmem:s26+$0x10] =	vst v8  }
0x66: {  	v3 =	vmul.f32 v3, v2;
	[tilespmem:s26+$0xFFFFFFE0] =	vst v6  }
0x67: {  	v5 =	vmul.f32 v5, v2;
	[tilespmem:s26+$0xFFFFFFF0] =	vst v1  }
0x68: {  	s24 =	sadd.s32 $0x1, s24;
	v1 =	vmul.f32 v4, v2;
	[tilespmem:s26+$0x20] =	vst v3  }
0x69: {  	p0 =	sne.s32 s24, $0x4F;
	[tilespmem:s26+$0x0] =	vst v5  }
.Ltmp2:
0x6a: {  	s25 =	sadd.s32 $0x2800, s25;
	[tilespmem:s26+$0xFFFFFFD0] =	vst v1;
	(pc) =	sbr.rel @p0 .LBB2_4-.Ltmp2, $4  }
0x6b: {  	[spmem:s1] =	stream.indirect.scatter.add.f32 [tilespmem:s18], [sflag:$0x2], $0x80, s25, s19, $0xb8;
	[tilespmem:$0x1F400] =	vst v63  }
0x6c: {  	_ =	swait.ge [sflag:s15], $0x4000  }
0x6d: {  	[sflag:s15] =	ssyncset.done $0x0  }
0x6e: {  	[sflag:s15] =	ssyncadd.s32 $0xFFFFC000  }
0x6f: {  	s22 =	sadd.s32 $0x1, s22  }
0x70: {  	p0 =	sne.s32 s22, s14  }
.Ltmp3:
0x71: {  	[bflag:$0x0] =	sbarrier.arrive $0xFFFF;
	s23 =	sshrl.u32 s8, $0x3;
	(pc) =	sbr.rel @p0 .LBB2_1-.Ltmp3, $4  }
0x72: {  	[hbm:s13], [sflag:s21] =	dma.local [spmem:s23], $0x2780  }
0x73: {  	_ =	swait.ge [sflag:s15], $0x2780  }
0x74: {  	[sflag:s15] =	ssyncset.done $0x0  }
0x75: {  	[sflag:s15] =	ssyncadd.s32 $0xFFFFD880  }
0x76: {  	_ =	sfence.sel $0x180000  }
0x77: {  	[bflag:$0x0] =	sbarrier.arrive $0xFFFF  }
0x78: {  	p0 =	sne.s32 s2, $0x0;
	_ =	strace $0x9000004A  }
0x79: {  	s0 =	sadd.s32 @!p0 $0x100000, s0;
	[bflag:$0x2] =	sbarrier.arrive $0xFFFF  }
0x7a: {  	[sflag:s0] =	ssyncadd.tile.s32 @!p0 $0x1;
	_ =	shalt  }
.Lfunc_end2:
_tile_overlayer_lowered:
.L_overlay_start_2:
0x7b: {  	(tag) =	ssettag $0x2  }
0x7c: {  	s0 =	rddreg [dreg:$0x0];
	s2 =	stileid.u32  }
0x7d: {  	s1 =	rddreg [dreg:$0x1];
	p0 =	sne.s32 s2, $0x0  }
0x7e: {  	s3 =	rddreg [dreg:$0x2];
	[bflag:$0x3] =	sbarrier.arrive $0xFFFF;
	s2 =	simm.s32 @!p0 $0x1C02  }
0x7f: {  	[timem:s3], [sflag:s2] =	dma.local @!p0 [hbm:s0], s1  }
0x80: {  	s0 =	simm.s32 @!p0 $0x2  }
0x81: {  	_ =	swait.ge @!p0 [sflag:s0], s1  }
0x82: {  	s1 =	ssub.s32 @!p0 $0x0, s1;
	[sflag:s0] =	ssyncset.done @!p0 $0x0  }
0x83: {  	[sflag:s0] =	ssyncadd.s32 @!p0 s1  }
0x84: {  	[bflag:$0x3] =	sbarrier.arrive $0xFFFF  }
0x85: {  	_ =	shalt  }

// kernel: kernel.7.cloned.1.call-start
scs
__scs_entry_jumppad:
0x0: {  	(pc) =	sbr.rel $0x88, $3  }
0x1: {  	(tag) =	ssettag $0x0;
	lr =	simm.s32 $0x1  }
0x2: {  	[smem:$0x3F9A] =	sst lr;
	_ =	strace $0xD0000000  }
0x3: {  	_ = 	snop  }
0x4: {  	_ = 	snop  }
0x5: {  	_ = 	snop  }
0x6: {  	_ = 	snop  }
0x7: {  	_ = 	snop  }
__scs_overlays_trampoline_lowered:
0x8: {  	[smem:$0x3FA9] =	sst s0  }
0x9: {  	[smem:$0x3FAA] =	sst s1  }
0xa: {  	[smem:$0x3FAB] =	sst s2  }
0xb: {  	[smem:$0x3FAC] =	sst s3  }
0xc: {  	[smem:$0x3FAD] =	sst s4  }
0xd: {  	[smem:$0x3FAE] =	sst s5  }
0xe: {  	[smem:$0x3FAF] =	sst s6  }
0xf: {  	[smem:$0x3FB0] =	sst s7  }
0x10: {  	[smem:$0x3FB1] =	sst s8  }
0x11: {  	[smem:$0x3FB2] =	sst s9;
	s0 =	simm.s32 @!p0 $0x0  }
0x12: {  	s1 =	sld [smem:$0x3F98];
	s0 =	simm.s32 @p0 $0x1  }
0x13: {  	[smem:$0x3FB3] =	sst s0;
	s0 =	simm.s32 @!p1 $0x0  }
0x14: {  	s2 =	sld [smem:$0x3F97];
	s0 =	simm.s32 @p1 $0x1  }
0x15: {  	[smem:$0x3FB4] =	sst s0;
	s0 =	simm.s32 @!p2 $0x0  }
0x16: {  	s3 =	sld [smem:$0x3FDB];
	s0 =	simm.s32 @p2 $0x1  }
0x17: {  	s4 =	simm.s32 $0x1BF5;
	[smem:$0x3FB6] =	sst s0  }
0x18: {  	s0 =	sld [smem:$0x3F99];
	_ =	swait.ge [sflag:s4], $0x0  }
0x19: {  	s7 =	sld [smem:$0x3F9A]  }
0x1a: {  	s8 =	sadd.s32 $0xFFFFE003, lr  }
0x1b: {  	s9 =	sadd.s32 $0xFFFFFEF7, lr;
	s5 =	simm.s32 $0xFFFFFFFF;
	p2 =	slt.u32 s8, $0xFFFFF086  }
0x1c: {  	p1 =	slt.u32 s9, $0xF7A;
	s5 =	simm.s32 @!p2 $0x0  }
0x1d: {  	s5 =	simm.s32 @p1 $0x1;
	p0 =	seq.s32 s7, s2  }
0x1e: {  	s7 =	smul.u32 @!p0 $0xF7A, s2;
	p2 =	seq.s32 @!p0 s5, $0x0  }
0x1f: {  	s9 =	smul.u32 $0xF7A, s1;
	s8 =	simm.s32 @!p0 $0x1BF5;
	p2 =	por !p2, p0  }
0x20: {  	[sflag:s8] =	ssyncset.s32 @!p0 $0xFFFFF086;
	s6 =	sadd.s32 @!p0 s3, s7;
	s7 =	simm.s32 @!p0 $0x108  }
0x21: {  	s3 =	sadd.s32 s3, s9;
	s6 =	sadd.s32 @!p0 $0x88, s6;
	s7 =	simm.s32 @p2 $0x1082  }
0x22: {  	[simem:s7], [sflag:s8] =	dma.local @!p0 [hbm:s6], $0xF7A  }
0x23: {  	s9 =	sor.u32 $0xD0000000, s2;
	s6 =	simm.s32 $0x108;
	_ =	swait.ge @!p0 [sflag:s8], $0x0  }
0x24: {  	s3 =	sadd.s32 $0x88, s3;
	s6 =	simm.s32 @!p1 $0x1082;
	[sflag:s4] =	ssyncset.s32 $0xFFFFF086  }
0x25: {  	[simem:s6], [sflag:s4] =	dma.local [hbm:s3], $0xF7A  }
0x26: {  	[smem:$0x3F9A] =	sst s1;
	(tag) =	ssettag s2;
	_ =	strace s9  }
0x27: {  	s1 =	sld [smem:$0x3FAA]  }
0x28: {  	s2 =	sld [smem:$0x3FAB]  }
0x29: {  	s4 =	sld [smem:$0x3FAD]  }
0x2a: {  	p0 =	seq.s32 s5, $0x0;
	s5 =	sld [smem:$0x3FAE]  }
0x2b: {  	s6 =	sld [smem:$0x3FAF]  }
0x2c: {  	s7 =	sld [smem:$0x3FB0]  }
0x2d: {  	s3 =	simm.s32 $0x108;
	s8 =	sld [smem:$0x3FB1]  }
0x2e: {  	s3 =	simm.s32 @!p0 $0x1082;
	s9 =	sld [smem:$0x3FB2]  }
0x2f: {  	lr =	sadd.s32 s0, s3;
	s0 =	sld [smem:$0x3FA9]  }
0x30: {  	s3 =	sld [smem:$0x3FAC]  }
0x31: {  	[smem:$0x3FB5] =	sst s10  }
0x32: {  	s10 =	sld [smem:$0x3FB3];
	_ =	sdelay $0x3  }
0x33: {  	p0 =	seq.s32 s10, $0x1;
	s10 =	sld [smem:$0x3FB5];
	_ =	sdelay $0x3  }
0x34: {  	[smem:$0x3FB5] =	sst s10  }
0x35: {  	s10 =	sld [smem:$0x3FB4];
	_ =	sdelay $0x3  }
0x36: {  	p1 =	seq.s32 s10, $0x1;
	s10 =	sld [smem:$0x3FB5];
	_ =	sdelay $0x3  }
0x37: {  	[smem:$0x3FB5] =	sst s10  }
0x38: {  	s10 =	sld [smem:$0x3FB6]  }
0x39: {  	_ = 	snop;
	(pc) =	sbr.ind lr, $3  }
0x3a: {  	_ = 	snop  }
0x3b: {  	_ = 	snop  }
0x3c: {  	p2 =	seq.s32 s10, $0x1;
	s10 =	sld [smem:$0x3FB5]  }
0x3d: {  	_ =	shalt  }
0x3e: {  	_ =	shalt  }
0x3f: {  	_ =	shalt  }
0x40: {  	_ =	shalt  }
0x41: {  	_ =	shalt  }
0x42: {  	_ =	shalt  }
0x43: {  	_ =	shalt  }
0x44: {  	_ =	shalt  }
0x45: {  	_ =	shalt  }
0x46: {  	_ =	shalt  }
0x47: {  	_ =	shalt  }
0x48: {  	_ =	shalt  }
0x49: {  	_ =	shalt  }
0x4a: {  	_ =	shalt  }
0x4b: {  	_ =	shalt  }
0x4c: {  	_ =	shalt  }
0x4d: {  	_ =	shalt  }
0x4e: {  	_ =	shalt  }
0x4f: {  	_ =	shalt  }
0x50: {  	_ =	shalt  }
0x51: {  	_ =	shalt  }
0x52: {  	_ =	shalt  }
0x53: {  	_ =	shalt  }
0x54: {  	_ =	shalt  }
0x55: {  	_ =	shalt  }
0x56: {  	_ =	shalt  }
0x57: {  	_ =	shalt  }
0x58: {  	_ =	shalt  }
0x59: {  	_ =	shalt  }
0x5a: {  	_ =	shalt  }
0x5b: {  	_ =	shalt  }
0x5c: {  	_ =	shalt  }
0x5d: {  	_ =	shalt  }
0x5e: {  	_ =	shalt  }
0x5f: {  	_ =	shalt  }
0x60: {  	_ =	shalt  }
0x61: {  	_ =	shalt  }
0x62: {  	_ =	shalt  }
0x63: {  	_ =	shalt  }
0x64: {  	_ =	shalt  }
0x65: {  	_ =	shalt  }
0x66: {  	_ =	shalt  }
0x67: {  	_ =	shalt  }
0x68: {  	_ =	shalt  }
0x69: {  	_ =	shalt  }
0x6a: {  	_ =	shalt  }
0x6b: {  	_ =	shalt  }
0x6c: {  	_ =	shalt  }
0x6d: {  	_ =	shalt  }
0x6e: {  	_ =	shalt  }
0x6f: {  	_ =	shalt  }
0x70: {  	_ =	shalt  }
0x71: {  	_ =	shalt  }
0x72: {  	_ =	shalt  }
0x73: {  	_ =	shalt  }
0x74: {  	_ =	shalt  }
0x75: {  	_ =	shalt  }
0x76: {  	_ =	shalt  }
0x77: {  	_ =	shalt  }
0x78: {  	_ =	shalt  }
0x79: {  	_ =	shalt  }
0x7a: {  	_ =	shalt  }
0x7b: {  	_ =	shalt  }
0x7c: {  	_ =	shalt  }
0x7d: {  	_ =	shalt  }
0x7e: {  	_ =	shalt  }
0x7f: {  	_ =	shalt  }
0x80: {  	_ =	shalt  }
0x81: {  	_ =	shalt  }
0x82: {  	_ =	shalt  }
0x83: {  	_ =	shalt  }
0x84: {  	_ =	shalt  }
0x85: {  	_ =	shalt  }
0x86: {  	_ =	shalt  }
0x87: {  	_ =	shalt  }
.Lfunc_end0:
.L_simem_size_0:
called_computation_lowered:
.L_overlay_start_0:
0x88: {  	s2 =	sld [smem:$0x3FD9]  }
0x89: {  	s3 =	sld [smem:$0x3FFE];
	_ =	sdelay $0x1  }
0x8a: {  	s1 =	srdreg.scid  }
0x8b: {  	s0 =	sand.u32 $0x1, s1  }
0x8c: {  	s17 =	sshll.u32 s0, $0xA;
	s2 =	sadd.s32 s3, s2  }
0x8d: {  	s2 =	sadd.s32 s2, s17  }
0x8e: {  	[smem:$0x3FC1] =	sst s2  }
0x8f: {  	_ = 	snop  }
0x90: {  	s2 =	sld [smem:$0x3FD0];
	(tm) =	ssettm $0x1  }
0x91: {  	s18 =	sld [smem:$0x3FFB];
	_ =	sdelay $0x3  }
0x92: {  	_ =	strace s18  }
0x93: {  	s3 =	sld [smem:$0x3FFC];
	_ =	sdelay $0x3  }
0x94: {  	_ =	strace s3  }
0x95: {  	s3 =	sld [smem:$0x3FFD];
	_ =	sdelay $0x3  }
0x96: {  	_ =	strace s3  }
0x97: {  	_ =	strace $0x8FFFFFFF  }
0x98: {  	s19 =	sld [smem:$0x3FDB];
	_ =	sdelay $0x1  }
0x99: {  	s4 =	simm.s32 $_scs_section_size  }
0x9a: {  	s5 =	simm.s32 $_size__tile_overlayer_lowered;
	s6 =	simm.s32 $_tile_overlayer_lowered  }
0x9b: {  	s22 =	simm.s32 $0x1BFF;
	s21 =	sshll.u32 s6, $0x1;
	s3 =	sadd.s32 s4, s19  }
0x9c: {  	s7 =	simm.s32 $0x0;
	s20 =	sshll.u32 s5, $0x1;
	s5 =	sadd.s32 s21, s3  }
0x9d: {  	[timem:s7], [sflag:s22] =	dma.local [hbm:s5], s20  }
0x9e: {  	_ =	swait.ge [sflag:s22], s20  }
0x9f: {  	s4 =	ssub.s32 $0x0, s20;
	[sflag:s22] =	ssyncset.done $0x0  }
0xa0: {  	[sflag:s22] =	ssyncadd.s32 s4;
	_ =	sdelay $0x1  }
0xa1: {  	s23 =	simm.s32 $0x1B8B  }
0xa2: {  	_ =	swait.ge [sflag:s23], $0x1  }
0xa3: {  	[sflag:s23] =	ssyncset.done $0x0  }
0xa4: {  	s25 =	simm.s32 $0x1B8E;
	s24 =	sld [smem:$0x3FFE];
	[sflag:s23] =	ssyncadd.s32 $0xFFFFFFFF  }
0xa5: {  	s26 =	simm.s32 $execute0_lowered;
	[smem:$0x3FD2] =	sst s25  }
0xa6: {  	s5 =	sshll.u32 s26, $0x1;
	_ =	strace $0x80000046;
	[dreg:$0x1] =	wrdreg $0xFFFFFFFF  }
0xa7: {  	s28 =	simm.s32 $_size_execute0_lowered;
	s3 =	sadd.s32 s3, s5;
	[dreg:$0x0] =	wrdreg $0x0  }
0xa8: {  	s5 =	sshll.u32 s28, $0x1;
	[dreg:$0x2] =	wrdreg s3  }
0xa9: {  	[dreg:$0x3] =	wrdreg s5  }
0xaa: {  	[dreg:$0x4] =	wrdreg $0xC0  }
0xab: {  	_ =	task [dreg:s7], $0x5FFFF  }
0xac: {  	[dreg:$0x1] =	wrdreg $0xFFFFFFFF  }
0xad: {  	[dreg:$0x0] =	wrdreg $0x60  }
0xae: {  	[dreg:$0x2] =	wrdreg s2  }
0xaf: {  	[dreg:$0x3] =	wrdreg s24  }
0xb0: {  	[dreg:$0x4] =	wrdreg $0x9  }
0xb1: {  	_ =	task.clear_ibuf [dreg:s7], $0x5FFFF;
	_ =	strace $0x90000046  }
0xb2: {  	s29 =	simm.s32 $0x9;
	_ =	strace $0x80000048  }
0xb3: {  	_ =	swait.ge [sflag:s29], $0x1  }
0xb4: {  	[sflag:s29] =	ssyncadd.s32 $0xFFFFFFFF  }
0xb5: {  	_ =	strace $0x90000048  }
0xb6: {  	_ =	sfence  }
0xb7: {  	s30 =	sld [smem:$0x0];
	_ =	sdelay $0x2  }
0xb8: {  	s31 =	sshll.u32 s1, $0xD;
	s1 =	sshrl.u32 s1, $0x2  }
0xb9: {  	s3 =	sand.u32 $0x4000, s31;
	s1 =	sadd.s32 s1, s30  }
0xba: {  	s0 =	sor.u32 s3, s0;
	s1 =	sshll.u32 s1, $0x11  }
0xbb: {  	s0 =	sor.u32 s1, s0  }
0xbc: {  	s0 =	sadd.s32 $0x8F2B, s0  }
0xbd: {  	[sflag:s0] =	ssyncadd.remote.s32 $0x1  }
0xbe: {  	_ =	sfence.sel $0xFFFF  }
0xbf: {  	[dreg:$0x0] =	wrdreg $0xFFFFFFFF;
	(pc) =	sbr.abs _section_cstart, $3  }
0xc0: {  	[dreg:$0x1] =	wrdreg $0xFFFFFFFF  }
0xc1: {  	_ =	task.clear_ibuf [dreg:s7], $0x2FFFF;
	_ =	strace $0x9FFFFFFF  }
0xc2: {  	(tm) =	ssettm $0x7FFFFFFF  }
0xc3: {  	_ =	shalt  }
tec
execute0_lowered:
.L_overlay_start_1:
0x0: {  	(tag) =	ssettag $0x1  }
0x1: {  	s1 =	srdreg.scid;
	s0 =	stileid.u32  }
0x2: {  	s3 =	rddreg [dreg:$0x0];
	s4 =	sand.u32 $0x1, s1;
	s30 =	sshll.u32 s0, $0x1  }
0x3: {  	s5 =	rddreg [dreg:$0x1];
	s2 =	simm.s32 $0x0;
	s6 =	sor.u32 s4, s30  }
0x4: {  	s9 =	simm.s32 $0x5000;
	s10 =	simm.s32 $0x0;
	s7 =	smul.u32 $0x500, s6  }
0x5: {  	[smem:$0x7FF] =	sst s2;
	s4 =	ssub.s32 $0x2, s4;
	s6 =	smul.u32 $0x2800, s6  }
0x6: {  	s1 =	rddreg [dreg:$0x2];
	_ =	strace $0x80000047;
	s31 =	sshrl.u32 s4, $0x1  }
0x7: {  	s8 =	sadd.s32 s7, s5;
	s5 =	sadd.s32 s6, s5;
	s6 =	ssub.s32 s4, s31  }
0x8: {  	s3 =	sadd.s32 s3, s7;
	s7 =	simm.s32 $0x1;
	s4 =	sadd.s32 $0x1800, s8  }
0x9: {  	v0 =	vimm.f32 $0.0e+00;
	s5 =	sadd.s32 $0xB800, s5;
	s6 =	smax.u32 s6, $0x1;
	s8 =	simm.s32 $0x2800  }
.LBB2_1:
0xa: {  	[tilespmem:s2], [sflag:$0x1] =	stream.linear.gather [hbm4b:s3+s2], $0x2780, $0x38;
	[tilespmem:$0x19000] =	vst v63  }
0xb: {  	_ =	swait.ge [sflag:s7], $0x2780  }
0xc: {  	[sflag:s7] =	ssyncset.done $0x0  }
0xd: {  	[sflag:s7] =	ssyncadd.s32 $0xFFFFD880  }
0xe: {  	[tilespmem:s8], [sflag:$0x1] =	stream.linear.gather [hbm4b:s4+s2], $0x2780, $0x38;
	[tilespmem:$0x19000] =	vst v63  }
0xf: {  	_ =	swait.ge [sflag:s7], $0x2780  }
0x10: {  	[sflag:s7] =	ssyncset.done $0x0  }
0x11: {  	s11 =	simm.s32 $0x0;
	[sflag:s7] =	ssyncadd.s32 $0xFFFFD880  }
.LBB2_2:
0x12: {  	p0 =	sne.s32 s11, $0x4FE00  }
.Ltmp0:
0x13: {  	_ = 	snop;
	(pc) =	sbr.rel @p0 .LBB2_2-.Ltmp0, $3  }
0x14: {  	_ =	sdelay $0x1  }
0x15: {  	s12 =	sshra.s32 s11, $0x2  }
0x16: {  	s11 =	sadd.s32 $0x200, s11;
	[tilespmem:s12+$0x5000] =	vst v0  }
0x17: {  	s11 =	simm.s32 $0x0  }
.LBB2_4:
0x18: {  	s12 =	sshra.s32 s11, $0x2  }
0x19: {  	v1 =	vld [tilespmem:s12+$0x0];
	_ =	sdelay $0x4  }
0x1a: {  	v2 =	vshll.u32 v1, $0x3  }
0x1b: {  	v1 =	vand.u32 $0xF, v1;
	v2 =	vand.u32 $0xFFFFFF80, v2  }
0x1c: {  	v3 =	vld [tilespmem:s12+$0x2800];
	v1 =	vor.u32 v1, v2;
	_ =	sdelay $0x4  }
0x1d: {  	[tilespmem:v1+s9+$0x0] =	vst.idx.add.f32.msk $0xffff, v3  }
0x1e: {  	v1 =	vld [tilespmem:s12+$0x10];
	_ =	sdelay $0x4  }
0x1f: {  	v2 =	vshll.u32 v1, $0x3  }
0x20: {  	v1 =	vand.u32 $0xF, v1;
	v2 =	vand.u32 $0xFFFFFF80, v2  }
0x21: {  	v3 =	vld [tilespmem:s12+$0x2810];
	v1 =	vor.u32 v1, v2;
	_ =	sdelay $0x4  }
0x22: {  	[tilespmem:v1+s9+$0x0] =	vst.idx.add.f32.msk $0xffff, v3  }
0x23: {  	v1 =	vld [tilespmem:s12+$0x20];
	_ =	sdelay $0x4  }
0x24: {  	v2 =	vshll.u32 v1, $0x3  }
0x25: {  	v1 =	vand.u32 $0xF, v1;
	v2 =	vand.u32 $0xFFFFFF80, v2  }
0x26: {  	v3 =	vld [tilespmem:s12+$0x2820];
	v1 =	vor.u32 v1, v2;
	_ =	sdelay $0x4  }
0x27: {  	[tilespmem:v1+s9+$0x0] =	vst.idx.add.f32.msk $0xffff, v3  }
0x28: {  	v1 =	vld [tilespmem:s12+$0x30];
	_ =	sdelay $0x4  }
0x29: {  	v2 =	vshll.u32 v1, $0x3  }
0x2a: {  	v1 =	vand.u32 $0xF, v1;
	v2 =	vand.u32 $0xFFFFFF80, v2  }
0x2b: {  	v3 =	vld [tilespmem:s12+$0x2830];
	v1 =	vor.u32 v1, v2;
	_ =	sdelay $0x4  }
0x2c: {  	[tilespmem:v1+s9+$0x0] =	vst.idx.add.f32.msk $0xffff, v3  }
0x2d: {  	v1 =	vld [tilespmem:s12+$0x40];
	_ =	sdelay $0x4  }
0x2e: {  	v2 =	vshll.u32 v1, $0x3  }
0x2f: {  	v1 =	vand.u32 $0xF, v1;
	v2 =	vand.u32 $0xFFFFFF80, v2  }
0x30: {  	v3 =	vld [tilespmem:s12+$0x2840];
	v1 =	vor.u32 v1, v2;
	_ =	sdelay $0x4  }
0x31: {  	[tilespmem:v1+s9+$0x0] =	vst.idx.add.f32.msk $0xffff, v3  }
0x32: {  	v1 =	vld [tilespmem:s12+$0x50];
	_ =	sdelay $0x4  }
0x33: {  	v2 =	vshll.u32 v1, $0x3  }
0x34: {  	v1 =	vand.u32 $0xF, v1;
	v2 =	vand.u32 $0xFFFFFF80, v2  }
0x35: {  	v3 =	vld [tilespmem:s12+$0x2850];
	v1 =	vor.u32 v1, v2;
	_ =	sdelay $0x4  }
0x36: {  	[tilespmem:v1+s9+$0x0] =	vst.idx.add.f32.msk $0xffff, v3  }
0x37: {  	v1 =	vld [tilespmem:s12+$0x60];
	_ =	sdelay $0x4  }
0x38: {  	v2 =	vshll.u32 v1, $0x3  }
0x39: {  	v1 =	vand.u32 $0xF, v1;
	v2 =	vand.u32 $0xFFFFFF80, v2  }
0x3a: {  	v3 =	vld [tilespmem:s12+$0x2860];
	v1 =	vor.u32 v1, v2;
	_ =	sdelay $0x4  }
0x3b: {  	[tilespmem:v1+s9+$0x0] =	vst.idx.add.f32.msk $0xffff, v3  }
0x3c: {  	v1 =	vld [tilespmem:s12+$0x70];
	_ =	sdelay $0x4  }
0x3d: {  	v2 =	vshll.u32 v1, $0x3  }
0x3e: {  	v1 =	vand.u32 $0xF, v1;
	v2 =	vand.u32 $0xFFFFFF80, v2  }
0x3f: {  	p0 =	sne.s32 s11, $0x9C00;
	v3 =	vld [tilespmem:s12+$0x2870];
	v1 =	vor.u32 v1, v2  }
.Ltmp1:
0x40: {  	_ = 	snop;
	(pc) =	sbr.rel @p0 .LBB2_4-.Ltmp1, $2  }
0x41: {  	_ =	sdelay $0x2  }
0x42: {  	s11 =	sadd.s32 $0x200, s11;
	[tilespmem:v1+s9+$0x0] =	vst.idx.add.f32.msk $0xffff, v3  }
0x43: {  	s10 =	sadd.s32 $0x1, s10  }
0x44: {  	p0 =	sne.s32 s10, s6  }
.Ltmp2:
0x45: {  	_ = 	snop;
	(pc) =	sbr.rel @p0 .LBB2_1-.Ltmp2, $4  }
0x46: {  	[hbm4b:s5+s2] =	stream.linear.scatter [tilespmem:s9], [sflag:$0x1], $0x14000, $0x38;
	[tilespmem:$0x19000] =	vst v63  }
0x47: {  	_ =	swait.ge [sflag:s7], $0x14000  }
0x48: {  	[sflag:s7] =	ssyncset.done $0x0  }
0x49: {  	[sflag:s7] =	ssyncadd.s32 $0xFFFEC000  }
0x4a: {  	_ =	sfence.sel $0x180000  }
0x4b: {  	[bflag:$0x0] =	sbarrier.arrive $0xFFFF  }
0x4c: {  	p0 =	sne.s32 s0, $0x0;
	_ =	strace $0x90000047  }
0x4d: {  	s0 =	sadd.s32 @!p0 $0x100000, s1;
	[bflag:$0x2] =	sbarrier.arrive $0xFFFF  }
0x4e: {  	[sflag:s0] =	ssyncadd.tile.s32 @!p0 $0x1;
	_ =	shalt  }
.Lfunc_end2:
_tile_overlayer_lowered:
.L_overlay_start_2:
0x4f: {  	(tag) =	ssettag $0x2  }
0x50: {  	s0 =	rddreg [dreg:$0x0];
	s2 =	stileid.u32  }
0x51: {  	s1 =	rddreg [dreg:$0x1];
	p0 =	sne.s32 s2, $0x0  }
0x52: {  	s3 =	rddreg [dreg:$0x2];
	[bflag:$0x3] =	sbarrier.arrive $0xFFFF;
	s2 =	simm.s32 @!p0 $0x1C01  }
0x53: {  	[timem:s3], [sflag:s2] =	dma.local @!p0 [hbm:s0], s1  }
0x54: {  	s0 =	simm.s32 @!p0 $0x1  }
0x55: {  	_ =	swait.ge @!p0 [sflag:s0], s1  }
0x56: {  	s1 =	ssub.s32 @!p0 $0x0, s1;
	[sflag:s0] =	ssyncset.done @!p0 $0x0  }
0x57: {  	[sflag:s0] =	ssyncadd.s32 @!p0 s1  }
0x58: {  	[bflag:$0x3] =	sbarrier.arrive $0xFFFF  }
0x59: {  	_ =	shalt  }

</sc_bundles>
